<compile_context>
chip_gen: v7x
topology: tpu7x:2x2x1
jax: 0.10.2.dev20260603
libtpu: 0.0.44.dev20260713+nightly
codegen_flags: <defaults>
</compile_context>

<pallas_src>
import functools

import jax
import jax.numpy as jnp
from jax import lax
from jax.experimental import pallas as pl
from jax.experimental.pallas import tpu as pltpu
from jax.experimental.pallas import tpu_sc as plsc

B = 16384
F = 26
V = 1000000
D = 13
NC = 2
NS = 16
NW = NC * NS
NB = B // NW
L = 16
CHUNK = 128
GR = (F * NB) // CHUNK
RPF = NB // CHUNK

_mesh = plsc.VectorSubcoreMesh(core_axis_name="c", subcore_axis_name="s")


@functools.partial(
    pl.kernel,
    out_type=jax.ShapeDtypeStruct((B,), jnp.float32),
    mesh=_mesh,
    scratch_types=[
        pltpu.VMEM((GR, CHUNK), jnp.int32),
        pltpu.VMEM((GR * CHUNK,), jnp.float32),
        pltpu.VMEM((D, NB), jnp.float32),
        pltpu.VMEM((64,), jnp.float32),
        pltpu.VMEM((NB,), jnp.float32),
        pltpu.SemaphoreType.DMA,
        pltpu.SemaphoreType.DMA,
    ],
    compiler_params=pltpu.CompilerParams(needs_layout_passes=False),
)
def _logreg_sc(sparse_hbm, dense_hbm, tables_hbm, wb_hbm, out_hbm,
               idx_v, val_v, den_v, wb_s, acc_v, sem, sem2):
    wid = lax.axis_index("s") * NC + lax.axis_index("c")
    base = wid * NB

    den_cp = pltpu.async_copy(dense_hbm.at[wid], den_v, sem2)
    wb_cp = pltpu.async_copy(wb_hbm, wb_s, sem2)
    pltpu.sync_copy(sparse_hbm.at[wid], idx_v)

    def off_fire(g, carry):
        off = (g // RPF) * V
        for c in range(CHUNK // L):
            sl = pl.ds(c * L, L)
            idx_v[g, sl] = idx_v[g, sl] + off
        pltpu.async_copy(tables_hbm.at[idx_v.at[g]],
                         val_v.at[pl.ds(g * CHUNK, CHUNK)], sem)
        return carry

    lax.fori_loop(0, GR, off_fire, 0)

    den_cp.wait()
    wb_cp.wait()

    wv0 = wb_s[pl.ds(0, L)]
    wv1 = wb_s[pl.ds(L, L)]
    wv2 = wb_s[pl.ds(2 * L, L)]
    wvs = (wv0, wv1, wv2)

    def wsc(k):
        return wvs[k // L][k % L]

    def dense_init(cidx, carry):
        acc = jnp.full((L,), wsc(F + D), jnp.float32)
        for dd in range(D):
            acc = acc + den_v[dd, pl.ds(cidx * L, L)] * wsc(F + dd)
        acc_v[pl.ds(cidx * L, L)] = acc
        return carry

    lax.fori_loop(0, NB // L, dense_init, 0)

    pltpu.make_async_copy(
        tables_hbm.at[pl.ds(0, GR * CHUNK)], val_v, sem).wait()

    def accum(cidx, carry):
        row_in_f = cidx // (CHUNK // L)
        lane_off = (cidx % (CHUNK // L)) * L
        sl = pl.ds(cidx * L, L)
        acc = acc_v[sl]
        for f in range(F):
            acc = acc + val_v[pl.ds((f * RPF + row_in_f) * CHUNK + lane_off, L)] * wsc(f)
        acc_v[sl] = acc
        return carry

    lax.fori_loop(0, NB // L, accum, 0)

    pltpu.sync_copy(acc_v, out_hbm.at[pl.ds(base, NB)])


def kernel(sparse, dense, tables, W, b):
    sparse_t = sparse.reshape(NW, NB, F).transpose(0, 2, 1).reshape(NW, GR, CHUNK)
    dense_t = dense.reshape(NW, NB, D).transpose(0, 2, 1)
    wb = jnp.concatenate([W[:, 0], b, jnp.zeros((64 - F - D - 1,), jnp.float32)])
    out = _logreg_sc(sparse_t, dense_t, tables, wb)
    return out[:, None]

# --- scband reference (transcript-rebuilt; emitter-appended) ---
"""Pipeline reference for scband-log-reg-layer-15144054686445 (READ-ONLY COPY).

The authoritative reference and input builder live on the scoring server;
editing this copy changes nothing except your own understanding.
"""

import jax, jax.numpy as jnp
import numpy as np

B = 16384
F = 26          # n sparse fields
V = 1000000     # vocab per field
D = 13          # n dense fields
EMB = 1         # LogReg uses embedding_dim = 1
DNN_IN = F * EMB + D  # 39


def setup_inputs(seed: int = 0) -> dict:
    key = jax.random.key(seed)
    k1, k2, k3, k4 = jax.random.split(key, 4)
    sparse = jax.random.randint(k1, (B, F), 0, V, dtype=jnp.int32)
    dense = jax.random.uniform(k2, (B, D), dtype=jnp.float32)
    # 26 embedding tables of shape [V, 1], stored flat as [F*V]
    tables = jax.random.normal(k3, (F * V,), dtype=jnp.float32) * 0.01
    W = jax.random.normal(k4, (DNN_IN, 1), dtype=jnp.float32) * 0.05
    b = jnp.zeros((1,), dtype=jnp.float32)
    return {"sparse": sparse, "dense": dense, "tables": tables, "W": W, "b": b}


def reference(sparse, dense, tables, W, b):
    # EmbeddingLayer: per-field gather of 1-dim embeddings
    offsets = (jnp.arange(F, dtype=sparse.dtype) * V)[None, :]   # [1, F]
    flat_idx = sparse + offsets                                   # [B, F]
    sparse_emb = jnp.take(tables, flat_idx, axis=0)               # [B, F] == stack(dim=1).flatten(1) with emb_dim=1
    # get_linear_input: dense features passed through
    dnn_input = jnp.concatenate([sparse_emb, dense], axis=1)      # [B, 39]
    out = dnn_input @ W + b                                       # [B, 1]
    return out

if __name__ == "__main__":
    import jax
    _d = setup_inputs()
    print(jax.jit(kernel)(*tuple(_d.values())))

</pallas_src>

<mosaic_0001>
#map = affine_map<(d0, d1) -> (0, 0, 0)>
#map1 = affine_map<(d0, d1) -> (0)>
module attributes {stable_mosaic.version = 14 : i64} {
  func.func @_logreg_sc(%arg0: i32, %arg1: i32, %arg2: memref<32x104x128xi32, #tpu.memory_space<hbm>>, %arg3: memref<32x13x512xf32, #tpu.memory_space<hbm>>, %arg4: memref<26000000xf32, #tpu.memory_space<hbm>>, %arg5: memref<64xf32, #tpu.memory_space<hbm>>, %arg6: memref<16384xf32, #tpu.memory_space<hbm>>, %arg7: memref<104x128xi32, #tpu.memory_space<vmem>>, %arg8: memref<13312xf32, #tpu.memory_space<vmem>>, %arg9: memref<13x512xf32, #tpu.memory_space<vmem>>, %arg10: memref<64xf32, #tpu.memory_space<vmem>>, %arg11: memref<512xf32, #tpu.memory_space<vmem>>, %arg12: memref<!tpu.dma_semaphore, #tpu.memory_space<semaphore_mem>>, %arg13: memref<!tpu.dma_semaphore, #tpu.memory_space<semaphore_mem>>) attributes {dimension_semantics = [#tpu.dimension_semantics<core_parallel>, #tpu.dimension_semantics<subcore_parallel>], iteration_bounds = array<i64: 2, 16>, scalar_prefetch = 0 : i64, scratch_operands = 7 : i64, tpu.core_type = #tpu.core_type<sc_vector_subcore>, window_params = [{transform_indices = #map}, {transform_indices = #map}, {transform_indices = #map1}, {transform_indices = #map1}, {transform_indices = #map1}]} {
    %mul3A = arith.constant 2 : i32
    %mul3A_0 = arith.muli %arg1, %mul3A : i32
    %add3A = arith.addi %mul3A_0, %arg0 : i32
    %mul3A_1 = arith.constant 512 : i32
    %mul3A_2 = arith.muli %add3A, %mul3A_1 : i32
    %dma_start3A = arith.constant 0 : i32
    %dma_start3A_3 = arith.constant 0 : i32
    %dma_start3A_4 = tpu.memref_slice %arg3[%add3A, %dma_start3A, %dma_start3A_3] : memref<32x13x512xf32, #tpu.memory_space<hbm>> -> memref<1x13x512xf32, #tpu.memory_space<hbm>>
    %dma_start3A_5 = tpu.memref_squeeze %dma_start3A_4 : memref<1x13x512xf32, #tpu.memory_space<hbm>> -> memref<13x512xf32, #tpu.memory_space<hbm>>
    %dma_start3A_6 = arith.constant 0 : i32
    %dma_start3A_7 = arith.constant 0 : i32
    %dma_start3A_8 = tpu.memref_slice %arg3[%add3A, %dma_start3A_6, %dma_start3A_7] : memref<32x13x512xf32, #tpu.memory_space<hbm>> -> memref<1x13x512xf32, #tpu.memory_space<hbm>>
    %dma_start3A_9 = tpu.memref_squeeze %dma_start3A_8 : memref<1x13x512xf32, #tpu.memory_space<hbm>> -> memref<13x512xf32, #tpu.memory_space<hbm>>
    tpu.enqueue_dma source(%dma_start3A_9 : memref<13x512xf32, #tpu.memory_space<hbm>>) target(%arg9 : memref<13x512xf32, #tpu.memory_space<vmem>>) target_semaphore(%arg13 : memref<!tpu.dma_semaphore, #tpu.memory_space<semaphore_mem>>)
    tpu.enqueue_dma source(%arg5 : memref<64xf32, #tpu.memory_space<hbm>>) target(%arg10 : memref<64xf32, #tpu.memory_space<vmem>>) target_semaphore(%arg13 : memref<!tpu.dma_semaphore, #tpu.memory_space<semaphore_mem>>)
    "tpu.region"() ({
      %run_scoped3A = tpu.sem_alloc : memref<!tpu.dma_semaphore, #tpu.memory_space<semaphore_mem>>
      %dma_start3A_43 = arith.constant 0 : i32
      %dma_start3A_44 = arith.constant 0 : i32
      %dma_start3A_45 = tpu.memref_slice %arg2[%add3A, %dma_start3A_43, %dma_start3A_44] : memref<32x104x128xi32, #tpu.memory_space<hbm>> -> memref<1x104x128xi32, #tpu.memory_space<hbm>>
      %dma_start3A_46 = tpu.memref_squeeze %dma_start3A_45 : memref<1x104x128xi32, #tpu.memory_space<hbm>> -> memref<104x128xi32, #tpu.memory_space<hbm>>
      %dma_start3A_47 = arith.constant 0 : i32
      %dma_start3A_48 = arith.constant 0 : i32
      %dma_start3A_49 = tpu.memref_slice %arg2[%add3A, %dma_start3A_47, %dma_start3A_48] : memref<32x104x128xi32, #tpu.memory_space<hbm>> -> memref<1x104x128xi32, #tpu.memory_space<hbm>>
      %dma_start3A_50 = tpu.memref_squeeze %dma_start3A_49 : memref<1x104x128xi32, #tpu.memory_space<hbm>> -> memref<104x128xi32, #tpu.memory_space<hbm>>
      tpu.enqueue_dma source(%dma_start3A_50 : memref<104x128xi32, #tpu.memory_space<hbm>>) target(%arg7 : memref<104x128xi32, #tpu.memory_space<vmem>>) target_semaphore(%run_scoped3A : memref<!tpu.dma_semaphore, #tpu.memory_space<semaphore_mem>>)
      %dma_wait3A_51 = arith.constant 0 : i32
      %dma_wait3A_52 = arith.constant 0 : i32
      %dma_wait3A_53 = tpu.memref_slice %arg2[%add3A, %dma_wait3A_51, %dma_wait3A_52] : memref<32x104x128xi32, #tpu.memory_space<hbm>> -> memref<1x104x128xi32, #tpu.memory_space<hbm>>
      %dma_wait3A_54 = tpu.memref_squeeze %dma_wait3A_53 : memref<1x104x128xi32, #tpu.memory_space<hbm>> -> memref<104x128xi32, #tpu.memory_space<hbm>>
      %dma_wait3A_55 = arith.constant 0 : i32
      %dma_wait3A_56 = arith.constant 0 : i32
      %dma_wait3A_57 = tpu.memref_slice %arg2[%add3A, %dma_wait3A_55, %dma_wait3A_56] : memref<32x104x128xi32, #tpu.memory_space<hbm>> -> memref<1x104x128xi32, #tpu.memory_space<hbm>>
      %dma_wait3A_58 = tpu.memref_squeeze %dma_wait3A_57 : memref<1x104x128xi32, #tpu.memory_space<hbm>> -> memref<104x128xi32, #tpu.memory_space<hbm>>
      tpu.wait_dma2 semaphore(%run_scoped3A : memref<!tpu.dma_semaphore, #tpu.memory_space<semaphore_mem>>) src(%dma_wait3A_58 : memref<104x128xi32, #tpu.memory_space<hbm>>) dst(%arg7 : memref<104x128xi32, #tpu.memory_space<vmem>>)
      tpu.yield
    }) : () -> ()
    %scan3A = arith.constant 0 : i32
    %scan3A_10 = arith.constant 0 : i32
    %scan3A_11 = arith.constant 104 : i32
    %scan3A_12 = arith.addi %scan3A_10, %scan3A_11 : i32
    %scan3A_13 = arith.constant 1 : i32
    scf.for %scan3A_43 = %scan3A_10 to %scan3A_12 step %scan3A_13  : i32 {
      %jit3A = arith.constant 4 : i32
      %div3A = arith.divsi %scan3A_43, %jit3A : i32
      %sign3A = arith.constant 0 : i32
      %sign3A_44 = arith.cmpi sgt, %scan3A_43, %sign3A : i32
      %sign3A_45 = arith.extui %sign3A_44 : i1 to i32
      %sign3A_46 = arith.constant 0 : i32
      %sign3A_47 = arith.cmpi slt, %scan3A_43, %sign3A_46 : i32
      %sign3A_48 = arith.extui %sign3A_47 : i1 to i32
      %sign3A_49 = arith.subi %sign3A_45, %sign3A_48 : i32
      %sign3A_50 = arith.constant 0 : i32
      %sign3A_51 = arith.cmpi sgt, %jit3A, %sign3A_50 : i32
      %sign3A_52 = arith.extui %sign3A_51 : i1 to i32
      %sign3A_53 = arith.constant 0 : i32
      %sign3A_54 = arith.cmpi slt, %jit3A, %sign3A_53 : i32
      %sign3A_55 = arith.extui %sign3A_54 : i1 to i32
      %sign3A_56 = arith.subi %sign3A_52, %sign3A_55 : i32
      %ne3A = arith.cmpi ne, %sign3A_49, %sign3A_56 : i32
      %rem3A = arith.remsi %scan3A_43, %jit3A : i32
      %ne3A_57 = arith.constant 0 : i32
      %ne3A_58 = arith.cmpi ne, %rem3A, %ne3A_57 : i32
      %and3A = arith.andi %ne3A, %ne3A_58 : i1
      %sub3A = arith.constant 1 : i32
      %sub3A_59 = arith.subi %div3A, %sub3A : i32
      %select_n3A = arith.select %and3A, %sub3A_59, %div3A : i32
      %mul3A_60 = arith.constant 1000000 : i32
      %mul3A_61 = arith.muli %select_n3A, %mul3A_60 : i32
      %get3A_62 = arith.index_cast %scan3A_43 : i32 to index
      %get3A_63 = arith.constant 0 : index
      %get3A_64 = tpu.vector_load %arg7[%get3A_62, %get3A_63] {strides = array<i32>} : memref<104x128xi32, #tpu.memory_space<vmem>>, vector<16xi32>,
      %add3A_65 = vector.broadcast %mul3A_61 : i32 to vector<16xi32>
      %add3A_66 = arith.addi %get3A_64, %add3A_65 : vector<16xi32>
      %swap3A = arith.index_cast %scan3A_43 : i32 to index
      %swap3A_67 = arith.constant 0 : index
      %swap3A_68 = tpu.vector_load %arg7[%swap3A, %swap3A_67] {strides = array<i32>} : memref<104x128xi32, #tpu.memory_space<vmem>>, vector<16xi32>,
      tpu.vector_store %arg7[%swap3A, %swap3A_67], %add3A_66 {strides = array<i32>} : memref<104x128xi32, #tpu.memory_space<vmem>>, vector<16xi32>,
      %get3A_69 = arith.index_cast %scan3A_43 : i32 to index
      %get3A_70 = arith.constant 16 : index
      %get3A_71 = tpu.vector_load %arg7[%get3A_69, %get3A_70] {strides = array<i32>} : memref<104x128xi32, #tpu.memory_space<vmem>>, vector<16xi32>,
      %add3A_72 = vector.broadcast %mul3A_61 : i32 to vector<16xi32>
      %add3A_73 = arith.addi %get3A_71, %add3A_72 : vector<16xi32>
      %swap3A_74 = arith.index_cast %scan3A_43 : i32 to index
      %swap3A_75 = arith.constant 16 : index
      %swap3A_76 = tpu.vector_load %arg7[%swap3A_74, %swap3A_75] {strides = array<i32>} : memref<104x128xi32, #tpu.memory_space<vmem>>, vector<16xi32>,
      tpu.vector_store %arg7[%swap3A_74, %swap3A_75], %add3A_73 {strides = array<i32>} : memref<104x128xi32, #tpu.memory_space<vmem>>, vector<16xi32>,
      %get3A_77 = arith.index_cast %scan3A_43 : i32 to index
      %get3A_78 = arith.constant 32 : index
      %get3A_79 = tpu.vector_load %arg7[%get3A_77, %get3A_78] {strides = array<i32>} : memref<104x128xi32, #tpu.memory_space<vmem>>, vector<16xi32>,
      %add3A_80 = vector.broadcast %mul3A_61 : i32 to vector<16xi32>
      %add3A_81 = arith.addi %get3A_79, %add3A_80 : vector<16xi32>
      %swap3A_82 = arith.index_cast %scan3A_43 : i32 to index
      %swap3A_83 = arith.constant 32 : index
      %swap3A_84 = tpu.vector_load %arg7[%swap3A_82, %swap3A_83] {strides = array<i32>} : memref<104x128xi32, #tpu.memory_space<vmem>>, vector<16xi32>,
      tpu.vector_store %arg7[%swap3A_82, %swap3A_83], %add3A_81 {strides = array<i32>} : memref<104x128xi32, #tpu.memory_space<vmem>>, vector<16xi32>,
      %get3A_85 = arith.index_cast %scan3A_43 : i32 to index
      %get3A_86 = arith.constant 48 : index
      %get3A_87 = tpu.vector_load %arg7[%get3A_85, %get3A_86] {strides = array<i32>} : memref<104x128xi32, #tpu.memory_space<vmem>>, vector<16xi32>,
      %add3A_88 = vector.broadcast %mul3A_61 : i32 to vector<16xi32>
      %add3A_89 = arith.addi %get3A_87, %add3A_88 : vector<16xi32>
      %swap3A_90 = arith.index_cast %scan3A_43 : i32 to index
      %swap3A_91 = arith.constant 48 : index
      %swap3A_92 = tpu.vector_load %arg7[%swap3A_90, %swap3A_91] {strides = array<i32>} : memref<104x128xi32, #tpu.memory_space<vmem>>, vector<16xi32>,
      tpu.vector_store %arg7[%swap3A_90, %swap3A_91], %add3A_89 {strides = array<i32>} : memref<104x128xi32, #tpu.memory_space<vmem>>, vector<16xi32>,
      %get3A_93 = arith.index_cast %scan3A_43 : i32 to index
      %get3A_94 = arith.constant 64 : index
      %get3A_95 = tpu.vector_load %arg7[%get3A_93, %get3A_94] {strides = array<i32>} : memref<104x128xi32, #tpu.memory_space<vmem>>, vector<16xi32>,
      %add3A_96 = vector.broadcast %mul3A_61 : i32 to vector<16xi32>
      %add3A_97 = arith.addi %get3A_95, %add3A_96 : vector<16xi32>
      %swap3A_98 = arith.index_cast %scan3A_43 : i32 to index
      %swap3A_99 = arith.constant 64 : index
      %swap3A_100 = tpu.vector_load %arg7[%swap3A_98, %swap3A_99] {strides = array<i32>} : memref<104x128xi32, #tpu.memory_space<vmem>>, vector<16xi32>,
      tpu.vector_store %arg7[%swap3A_98, %swap3A_99], %add3A_97 {strides = array<i32>} : memref<104x128xi32, #tpu.memory_space<vmem>>, vector<16xi32>,
      %get3A_101 = arith.index_cast %scan3A_43 : i32 to index
      %get3A_102 = arith.constant 80 : index
      %get3A_103 = tpu.vector_load %arg7[%get3A_101, %get3A_102] {strides = array<i32>} : memref<104x128xi32, #tpu.memory_space<vmem>>, vector<16xi32>,
      %add3A_104 = vector.broadcast %mul3A_61 : i32 to vector<16xi32>
      %add3A_105 = arith.addi %get3A_103, %add3A_104 : vector<16xi32>
      %swap3A_106 = arith.index_cast %scan3A_43 : i32 to index
      %swap3A_107 = arith.constant 80 : index
      %swap3A_108 = tpu.vector_load %arg7[%swap3A_106, %swap3A_107] {strides = array<i32>} : memref<104x128xi32, #tpu.memory_space<vmem>>, vector<16xi32>,
      tpu.vector_store %arg7[%swap3A_106, %swap3A_107], %add3A_105 {strides = array<i32>} : memref<104x128xi32, #tpu.memory_space<vmem>>, vector<16xi32>,
      %get3A_109 = arith.index_cast %scan3A_43 : i32 to index
      %get3A_110 = arith.constant 96 : index
      %get3A_111 = tpu.vector_load %arg7[%get3A_109, %get3A_110] {strides = array<i32>} : memref<104x128xi32, #tpu.memory_space<vmem>>, vector<16xi32>,
      %add3A_112 = vector.broadcast %mul3A_61 : i32 to vector<16xi32>
      %add3A_113 = arith.addi %get3A_111, %add3A_112 : vector<16xi32>
      %swap3A_114 = arith.index_cast %scan3A_43 : i32 to index
      %swap3A_115 = arith.constant 96 : index
      %swap3A_116 = tpu.vector_load %arg7[%swap3A_114, %swap3A_115] {strides = array<i32>} : memref<104x128xi32, #tpu.memory_space<vmem>>, vector<16xi32>,
      tpu.vector_store %arg7[%swap3A_114, %swap3A_115], %add3A_113 {strides = array<i32>} : memref<104x128xi32, #tpu.memory_space<vmem>>, vector<16xi32>,
      %get3A_117 = arith.index_cast %scan3A_43 : i32 to index
      %get3A_118 = arith.constant 112 : index
      %get3A_119 = tpu.vector_load %arg7[%get3A_117, %get3A_118] {strides = array<i32>} : memref<104x128xi32, #tpu.memory_space<vmem>>, vector<16xi32>,
      %add3A_120 = vector.broadcast %mul3A_61 : i32 to vector<16xi32>
      %add3A_121 = arith.addi %get3A_119, %add3A_120 : vector<16xi32>
      %swap3A_122 = arith.index_cast %scan3A_43 : i32 to index
      %swap3A_123 = arith.constant 112 : index
      %swap3A_124 = tpu.vector_load %arg7[%swap3A_122, %swap3A_123] {strides = array<i32>} : memref<104x128xi32, #tpu.memory_space<vmem>>, vector<16xi32>,
      tpu.vector_store %arg7[%swap3A_122, %swap3A_123], %add3A_121 {strides = array<i32>} : memref<104x128xi32, #tpu.memory_space<vmem>>, vector<16xi32>,
      %mul3A_125 = arith.constant 128 : i32
      %mul3A_126 = arith.muli %scan3A_43, %mul3A_125 : i32
      %dma_start3A_127 = tpu.memref_slice %arg8[%mul3A_126] : memref<13312xf32, #tpu.memory_space<vmem>> -> memref<128xf32, #tpu.memory_space<vmem>>
      %dma_start3A_128 = arith.constant 0 : i32
      %dma_start3A_129 = tpu.memref_slice %arg7[%scan3A_43, %dma_start3A_128] : memref<104x128xi32, #tpu.memory_space<vmem>> -> memref<1x128xi32, #tpu.memory_space<vmem>>
      %dma_start3A_130 = tpu.memref_squeeze %dma_start3A_129 : memref<1x128xi32, #tpu.memory_space<vmem>> -> memref<128xi32, #tpu.memory_space<vmem>>
      %dma_start3A_131 = arith.constant 0 : i32
      %dma_start3A_132 = tpu.memref_slice %arg4[%dma_start3A_131] : memref<26000000xf32, #tpu.memory_space<hbm>> -> memref<26000000xf32, #tpu.memory_space<hbm>>
      tpu.enqueue_indirect_dma source(%dma_start3A_132 : memref<26000000xf32, #tpu.memory_space<hbm>>) target(%dma_start3A_127 : memref<128xf32, #tpu.memory_space<vmem>>) offsets(%dma_start3A_130 : memref<128xi32, #tpu.memory_space<vmem>>) semaphore(%arg12 : memref<!tpu.dma_semaphore, #tpu.memory_space<semaphore_mem>>)
    }
    %scan3A_14 = arith.constant 104 : i32
    %dma_wait3A = arith.constant 0 : i32
    %dma_wait3A_15 = arith.constant 0 : i32
    %dma_wait3A_16 = tpu.memref_slice %arg3[%add3A, %dma_wait3A, %dma_wait3A_15] : memref<32x13x512xf32, #tpu.memory_space<hbm>> -> memref<1x13x512xf32, #tpu.memory_space<hbm>>
    %dma_wait3A_17 = tpu.memref_squeeze %dma_wait3A_16 : memref<1x13x512xf32, #tpu.memory_space<hbm>> -> memref<13x512xf32, #tpu.memory_space<hbm>>
    %dma_wait3A_18 = arith.constant 0 : i32
    %dma_wait3A_19 = arith.constant 0 : i32
    %dma_wait3A_20 = tpu.memref_slice %arg3[%add3A, %dma_wait3A_18, %dma_wait3A_19] : memref<32x13x512xf32, #tpu.memory_space<hbm>> -> memref<1x13x512xf32, #tpu.memory_space<hbm>>
    %dma_wait3A_21 = tpu.memref_squeeze %dma_wait3A_20 : memref<1x13x512xf32, #tpu.memory_space<hbm>> -> memref<13x512xf32, #tpu.memory_space<hbm>>
    tpu.wait_dma2 semaphore(%arg13 : memref<!tpu.dma_semaphore, #tpu.memory_space<semaphore_mem>>) src(%dma_wait3A_21 : memref<13x512xf32, #tpu.memory_space<hbm>>) dst(%arg9 : memref<13x512xf32, #tpu.memory_space<vmem>>)
    tpu.wait_dma2 semaphore(%arg13 : memref<!tpu.dma_semaphore, #tpu.memory_space<semaphore_mem>>) src(%arg5 : memref<64xf32, #tpu.memory_space<hbm>>) dst(%arg10 : memref<64xf32, #tpu.memory_space<vmem>>)
    %get3A = arith.constant 0 : index
    %get3A_22 = tpu.vector_load %arg10[%get3A] {strides = array<i32>} : memref<64xf32, #tpu.memory_space<vmem>>, vector<16xf32>,
    %get3A_23 = arith.constant 16 : index
    %get3A_24 = tpu.vector_load %arg10[%get3A_23] {strides = array<i32>} : memref<64xf32, #tpu.memory_space<vmem>>, vector<16xf32>,
    %get3A_25 = arith.constant 32 : index
    %get3A_26 = tpu.vector_load %arg10[%get3A_25] {strides = array<i32>} : memref<64xf32, #tpu.memory_space<vmem>>, vector<16xf32>,
    %scan3A_27 = arith.constant 0 : i32
    %scan3A_28 = arith.constant 0 : i32
    %scan3A_29 = arith.constant 32 : i32
    %scan3A_30 = arith.addi %scan3A_28, %scan3A_29 : i32
    %scan3A_31 = arith.constant 1 : i32
    scf.for %scan3A_43 = %scan3A_28 to %scan3A_30 step %scan3A_31  : i32 {
      %slice3A = vector.extract_strided_slice %get3A_26 {offsets = [7], sizes = [1], strides = [1]} : vector<16xf32> to vector<1xf32>
      %squeeze3A = vector.extract %slice3A[0] : f32 from vector<1xf32>
      %broadcast_in_dim3A = vector.broadcast %squeeze3A : f32 to vector<16xf32>
      %mul3A_44 = arith.constant 16 : i32
      %mul3A_45 = arith.muli %scan3A_43, %mul3A_44 : i32
      %get3A_46 = arith.constant 0 : i32
      %get3A_47 = arith.index_cast %get3A_46 : i32 to index
      %get3A_48 = arith.index_cast %mul3A_45 : i32 to index
      %get3A_49 = tpu.vector_load %arg9[%get3A_47, %get3A_48] {strides = array<i32>} : memref<13x512xf32, #tpu.memory_space<vmem>>, vector<16xf32>,
      %slice3A_50 = vector.extract_strided_slice %get3A_24 {offsets = [10], sizes = [1], strides = [1]} : vector<16xf32> to vector<1xf32>
      %squeeze3A_51 = vector.extract %slice3A_50[0] : f32 from vector<1xf32>
      %mul3A_52 = vector.broadcast %squeeze3A_51 : f32 to vector<16xf32>
      %mul3A_53 = arith.mulf %get3A_49, %mul3A_52 : vector<16xf32>
      %add3A_54 = arith.addf %broadcast_in_dim3A, %mul3A_53 : vector<16xf32>
      %mul3A_55 = arith.constant 16 : i32
      %mul3A_56 = arith.muli %scan3A_43, %mul3A_55 : i32
      %get3A_57 = arith.constant 1 : i32
      %get3A_58 = arith.index_cast %get3A_57 : i32 to index
      %get3A_59 = arith.index_cast %mul3A_56 : i32 to index
      %get3A_60 = tpu.vector_load %arg9[%get3A_58, %get3A_59] {strides = array<i32>} : memref<13x512xf32, #tpu.memory_space<vmem>>, vector<16xf32>,
      %slice3A_61 = vector.extract_strided_slice %get3A_24 {offsets = [11], sizes = [1], strides = [1]} : vector<16xf32> to vector<1xf32>
      %squeeze3A_62 = vector.extract %slice3A_61[0] : f32 from vector<1xf32>
      %mul3A_63 = vector.broadcast %squeeze3A_62 : f32 to vector<16xf32>
      %mul3A_64 = arith.mulf %get3A_60, %mul3A_63 : vector<16xf32>
      %add3A_65 = arith.addf %add3A_54, %mul3A_64 : vector<16xf32>
      %mul3A_66 = arith.constant 16 : i32
      %mul3A_67 = arith.muli %scan3A_43, %mul3A_66 : i32
      %get3A_68 = arith.constant 2 : i32
      %get3A_69 = arith.index_cast %get3A_68 : i32 to index
      %get3A_70 = arith.index_cast %mul3A_67 : i32 to index
      %get3A_71 = tpu.vector_load %arg9[%get3A_69, %get3A_70] {strides = array<i32>} : memref<13x512xf32, #tpu.memory_space<vmem>>, vector<16xf32>,
      %slice3A_72 = vector.extract_strided_slice %get3A_24 {offsets = [12], sizes = [1], strides = [1]} : vector<16xf32> to vector<1xf32>
      %squeeze3A_73 = vector.extract %slice3A_72[0] : f32 from vector<1xf32>
      %mul3A_74 = vector.broadcast %squeeze3A_73 : f32 to vector<16xf32>
      %mul3A_75 = arith.mulf %get3A_71, %mul3A_74 : vector<16xf32>
      %add3A_76 = arith.addf %add3A_65, %mul3A_75 : vector<16xf32>
      %mul3A_77 = arith.constant 16 : i32
      %mul3A_78 = arith.muli %scan3A_43, %mul3A_77 : i32
      %get3A_79 = arith.constant 3 : i32
      %get3A_80 = arith.index_cast %get3A_79 : i32 to index
      %get3A_81 = arith.index_cast %mul3A_78 : i32 to index
      %get3A_82 = tpu.vector_load %arg9[%get3A_80, %get3A_81] {strides = array<i32>} : memref<13x512xf32, #tpu.memory_space<vmem>>, vector<16xf32>,
      %slice3A_83 = vector.extract_strided_slice %get3A_24 {offsets = [13], sizes = [1], strides = [1]} : vector<16xf32> to vector<1xf32>
      %squeeze3A_84 = vector.extract %slice3A_83[0] : f32 from vector<1xf32>
      %mul3A_85 = vector.broadcast %squeeze3A_84 : f32 to vector<16xf32>
      %mul3A_86 = arith.mulf %get3A_82, %mul3A_85 : vector<16xf32>
      %add3A_87 = arith.addf %add3A_76, %mul3A_86 : vector<16xf32>
      %mul3A_88 = arith.constant 16 : i32
      %mul3A_89 = arith.muli %scan3A_43, %mul3A_88 : i32
      %get3A_90 = arith.constant 4 : i32
      %get3A_91 = arith.index_cast %get3A_90 : i32 to index
      %get3A_92 = arith.index_cast %mul3A_89 : i32 to index
      %get3A_93 = tpu.vector_load %arg9[%get3A_91, %get3A_92] {strides = array<i32>} : memref<13x512xf32, #tpu.memory_space<vmem>>, vector<16xf32>,
      %slice3A_94 = vector.extract_strided_slice %get3A_24 {offsets = [14], sizes = [1], strides = [1]} : vector<16xf32> to vector<1xf32>
      %squeeze3A_95 = vector.extract %slice3A_94[0] : f32 from vector<1xf32>
      %mul3A_96 = vector.broadcast %squeeze3A_95 : f32 to vector<16xf32>
      %mul3A_97 = arith.mulf %get3A_93, %mul3A_96 : vector<16xf32>
      %add3A_98 = arith.addf %add3A_87, %mul3A_97 : vector<16xf32>
      %mul3A_99 = arith.constant 16 : i32
      %mul3A_100 = arith.muli %scan3A_43, %mul3A_99 : i32
      %get3A_101 = arith.constant 5 : i32
      %get3A_102 = arith.index_cast %get3A_101 : i32 to index
      %get3A_103 = arith.index_cast %mul3A_100 : i32 to index
      %get3A_104 = tpu.vector_load %arg9[%get3A_102, %get3A_103] {strides = array<i32>} : memref<13x512xf32, #tpu.memory_space<vmem>>, vector<16xf32>,
      %slice3A_105 = vector.extract_strided_slice %get3A_24 {offsets = [15], sizes = [1], strides = [1]} : vector<16xf32> to vector<1xf32>
      %squeeze3A_106 = vector.extract %slice3A_105[0] : f32 from vector<1xf32>
      %mul3A_107 = vector.broadcast %squeeze3A_106 : f32 to vector<16xf32>
      %mul3A_108 = arith.mulf %get3A_104, %mul3A_107 : vector<16xf32>
      %add3A_109 = arith.addf %add3A_98, %mul3A_108 : vector<16xf32>
      %mul3A_110 = arith.constant 16 : i32
      %mul3A_111 = arith.muli %scan3A_43, %mul3A_110 : i32
      %get3A_112 = arith.constant 6 : i32
      %get3A_113 = arith.index_cast %get3A_112 : i32 to index
      %get3A_114 = arith.index_cast %mul3A_111 : i32 to index
      %get3A_115 = tpu.vector_load %arg9[%get3A_113, %get3A_114] {strides = array<i32>} : memref<13x512xf32, #tpu.memory_space<vmem>>, vector<16xf32>,
      %slice3A_116 = vector.extract_strided_slice %get3A_26 {offsets = [0], sizes = [1], strides = [1]} : vector<16xf32> to vector<1xf32>
      %squeeze3A_117 = vector.extract %slice3A_116[0] : f32 from vector<1xf32>
      %mul3A_118 = vector.broadcast %squeeze3A_117 : f32 to vector<16xf32>
      %mul3A_119 = arith.mulf %get3A_115, %mul3A_118 : vector<16xf32>
      %add3A_120 = arith.addf %add3A_109, %mul3A_119 : vector<16xf32>
      %mul3A_121 = arith.constant 16 : i32
      %mul3A_122 = arith.muli %scan3A_43, %mul3A_121 : i32
      %get3A_123 = arith.constant 7 : i32
      %get3A_124 = arith.index_cast %get3A_123 : i32 to index
      %get3A_125 = arith.index_cast %mul3A_122 : i32 to index
      %get3A_126 = tpu.vector_load %arg9[%get3A_124, %get3A_125] {strides = array<i32>} : memref<13x512xf32, #tpu.memory_space<vmem>>, vector<16xf32>,
      %slice3A_127 = vector.extract_strided_slice %get3A_26 {offsets = [1], sizes = [1], strides = [1]} : vector<16xf32> to vector<1xf32>
      %squeeze3A_128 = vector.extract %slice3A_127[0] : f32 from vector<1xf32>
      %mul3A_129 = vector.broadcast %squeeze3A_128 : f32 to vector<16xf32>
      %mul3A_130 = arith.mulf %get3A_126, %mul3A_129 : vector<16xf32>
      %add3A_131 = arith.addf %add3A_120, %mul3A_130 : vector<16xf32>
      %mul3A_132 = arith.constant 16 : i32
      %mul3A_133 = arith.muli %scan3A_43, %mul3A_132 : i32
      %get3A_134 = arith.constant 8 : i32
      %get3A_135 = arith.index_cast %get3A_134 : i32 to index
      %get3A_136 = arith.index_cast %mul3A_133 : i32 to index
      %get3A_137 = tpu.vector_load %arg9[%get3A_135, %get3A_136] {strides = array<i32>} : memref<13x512xf32, #tpu.memory_space<vmem>>, vector<16xf32>,
      %slice3A_138 = vector.extract_strided_slice %get3A_26 {offsets = [2], sizes = [1], strides = [1]} : vector<16xf32> to vector<1xf32>
      %squeeze3A_139 = vector.extract %slice3A_138[0] : f32 from vector<1xf32>
      %mul3A_140 = vector.broadcast %squeeze3A_139 : f32 to vector<16xf32>
      %mul3A_141 = arith.mulf %get3A_137, %mul3A_140 : vector<16xf32>
      %add3A_142 = arith.addf %add3A_131, %mul3A_141 : vector<16xf32>
      %mul3A_143 = arith.constant 16 : i32
      %mul3A_144 = arith.muli %scan3A_43, %mul3A_143 : i32
      %get3A_145 = arith.constant 9 : i32
      %get3A_146 = arith.index_cast %get3A_145 : i32 to index
      %get3A_147 = arith.index_cast %mul3A_144 : i32 to index
      %get3A_148 = tpu.vector_load %arg9[%get3A_146, %get3A_147] {strides = array<i32>} : memref<13x512xf32, #tpu.memory_space<vmem>>, vector<16xf32>,
      %slice3A_149 = vector.extract_strided_slice %get3A_26 {offsets = [3], sizes = [1], strides = [1]} : vector<16xf32> to vector<1xf32>
      %squeeze3A_150 = vector.extract %slice3A_149[0] : f32 from vector<1xf32>
      %mul3A_151 = vector.broadcast %squeeze3A_150 : f32 to vector<16xf32>
      %mul3A_152 = arith.mulf %get3A_148, %mul3A_151 : vector<16xf32>
      %add3A_153 = arith.addf %add3A_142, %mul3A_152 : vector<16xf32>
      %mul3A_154 = arith.constant 16 : i32
      %mul3A_155 = arith.muli %scan3A_43, %mul3A_154 : i32
      %get3A_156 = arith.constant 10 : i32
      %get3A_157 = arith.index_cast %get3A_156 : i32 to index
      %get3A_158 = arith.index_cast %mul3A_155 : i32 to index
      %get3A_159 = tpu.vector_load %arg9[%get3A_157, %get3A_158] {strides = array<i32>} : memref<13x512xf32, #tpu.memory_space<vmem>>, vector<16xf32>,
      %slice3A_160 = vector.extract_strided_slice %get3A_26 {offsets = [4], sizes = [1], strides = [1]} : vector<16xf32> to vector<1xf32>
      %squeeze3A_161 = vector.extract %slice3A_160[0] : f32 from vector<1xf32>
      %mul3A_162 = vector.broadcast %squeeze3A_161 : f32 to vector<16xf32>
      %mul3A_163 = arith.mulf %get3A_159, %mul3A_162 : vector<16xf32>
      %add3A_164 = arith.addf %add3A_153, %mul3A_163 : vector<16xf32>
      %mul3A_165 = arith.constant 16 : i32
      %mul3A_166 = arith.muli %scan3A_43, %mul3A_165 : i32
      %get3A_167 = arith.constant 11 : i32
      %get3A_168 = arith.index_cast %get3A_167 : i32 to index
      %get3A_169 = arith.index_cast %mul3A_166 : i32 to index
      %get3A_170 = tpu.vector_load %arg9[%get3A_168, %get3A_169] {strides = array<i32>} : memref<13x512xf32, #tpu.memory_space<vmem>>, vector<16xf32>,
      %slice3A_171 = vector.extract_strided_slice %get3A_26 {offsets = [5], sizes = [1], strides = [1]} : vector<16xf32> to vector<1xf32>
      %squeeze3A_172 = vector.extract %slice3A_171[0] : f32 from vector<1xf32>
      %mul3A_173 = vector.broadcast %squeeze3A_172 : f32 to vector<16xf32>
      %mul3A_174 = arith.mulf %get3A_170, %mul3A_173 : vector<16xf32>
      %add3A_175 = arith.addf %add3A_164, %mul3A_174 : vector<16xf32>
      %mul3A_176 = arith.constant 16 : i32
      %mul3A_177 = arith.muli %scan3A_43, %mul3A_176 : i32
      %get3A_178 = arith.constant 12 : i32
      %get3A_179 = arith.index_cast %get3A_178 : i32 to index
      %get3A_180 = arith.index_cast %mul3A_177 : i32 to index
      %get3A_181 = tpu.vector_load %arg9[%get3A_179, %get3A_180] {strides = array<i32>} : memref<13x512xf32, #tpu.memory_space<vmem>>, vector<16xf32>,
      %slice3A_182 = vector.extract_strided_slice %get3A_26 {offsets = [6], sizes = [1], strides = [1]} : vector<16xf32> to vector<1xf32>
      %squeeze3A_183 = vector.extract %slice3A_182[0] : f32 from vector<1xf32>
      %mul3A_184 = vector.broadcast %squeeze3A_183 : f32 to vector<16xf32>
      %mul3A_185 = arith.mulf %get3A_181, %mul3A_184 : vector<16xf32>
      %add3A_186 = arith.addf %add3A_175, %mul3A_185 : vector<16xf32>
      %mul3A_187 = arith.constant 16 : i32
      %mul3A_188 = arith.muli %scan3A_43, %mul3A_187 : i32
      %swap3A = arith.index_cast %mul3A_188 : i32 to index
      %swap3A_189 = tpu.vector_load %arg11[%swap3A] {strides = array<i32>} : memref<512xf32, #tpu.memory_space<vmem>>, vector<16xf32>,
      tpu.vector_store %arg11[%swap3A], %add3A_186 {strides = array<i32>} : memref<512xf32, #tpu.memory_space<vmem>>, vector<16xf32>,
    }
    %scan3A_32 = arith.constant 32 : i32
    %dma_wait3A_33 = arith.constant 0 : i32
    %dma_wait3A_34 = tpu.memref_slice %arg4[%dma_wait3A_33] : memref<26000000xf32, #tpu.memory_space<hbm>> -> memref<13312xf32, #tpu.memory_space<hbm>>
    %dma_wait3A_35 = arith.constant 0 : i32
    %dma_wait3A_36 = tpu.memref_slice %arg4[%dma_wait3A_35] : memref<26000000xf32, #tpu.memory_space<hbm>> -> memref<13312xf32, #tpu.memory_space<hbm>>
    tpu.wait_dma2 semaphore(%arg12 : memref<!tpu.dma_semaphore, #tpu.memory_space<semaphore_mem>>) src(%dma_wait3A_36 : memref<13312xf32, #tpu.memory_space<hbm>>) dst(%arg8 : memref<13312xf32, #tpu.memory_space<vmem>>)
    %scan3A_37 = arith.constant 0 : i32
    %scan3A_38 = arith.constant 0 : i32
    %scan3A_39 = arith.constant 32 : i32
    %scan3A_40 = arith.addi %scan3A_38, %scan3A_39 : i32
    %scan3A_41 = arith.constant 1 : i32
    scf.for %scan3A_43 = %scan3A_38 to %scan3A_40 step %scan3A_41  : i32 {
      %jit3A = arith.constant 8 : i32
      %div3A = arith.divsi %scan3A_43, %jit3A : i32
      %sign3A = arith.constant 0 : i32
      %sign3A_44 = arith.cmpi sgt, %scan3A_43, %sign3A : i32
      %sign3A_45 = arith.extui %sign3A_44 : i1 to i32
      %sign3A_46 = arith.constant 0 : i32
      %sign3A_47 = arith.cmpi slt, %scan3A_43, %sign3A_46 : i32
      %sign3A_48 = arith.extui %sign3A_47 : i1 to i32
      %sign3A_49 = arith.subi %sign3A_45, %sign3A_48 : i32
      %sign3A_50 = arith.constant 0 : i32
      %sign3A_51 = arith.cmpi sgt, %jit3A, %sign3A_50 : i32
      %sign3A_52 = arith.extui %sign3A_51 : i1 to i32
      %sign3A_53 = arith.constant 0 : i32
      %sign3A_54 = arith.cmpi slt, %jit3A, %sign3A_53 : i32
      %sign3A_55 = arith.extui %sign3A_54 : i1 to i32
      %sign3A_56 = arith.subi %sign3A_52, %sign3A_55 : i32
      %ne3A = arith.cmpi ne, %sign3A_49, %sign3A_56 : i32
      %rem3A = arith.remsi %scan3A_43, %jit3A : i32
      %ne3A_57 = arith.constant 0 : i32
      %ne3A_58 = arith.cmpi ne, %rem3A, %ne3A_57 : i32
      %and3A = arith.andi %ne3A, %ne3A_58 : i1
      %sub3A = arith.constant 1 : i32
      %sub3A_59 = arith.subi %div3A, %sub3A : i32
      %select_n3A = arith.select %and3A, %sub3A_59, %div3A : i32
      %jit3A_60 = arith.constant 8 : i32
      %eq3A = arith.constant 0 : i32
      %eq3A_61 = arith.cmpi eq, %jit3A_60, %eq3A : i32
      %jit3A_62 = arith.constant 1 : i32
      %select_n3A_63 = arith.select %eq3A_61, %jit3A_62, %jit3A_60 : i32
      %rem3A_64 = arith.remsi %scan3A_43, %select_n3A_63 : i32
      %ne3A_65 = arith.constant 0 : i32
      %ne3A_66 = arith.cmpi ne, %rem3A_64, %ne3A_65 : i32
      %lt3A = arith.constant 0 : i32
      %lt3A_67 = arith.cmpi slt, %rem3A_64, %lt3A : i32
      %lt3A_68 = arith.constant 0 : i32
      %lt3A_69 = arith.cmpi slt, %select_n3A_63, %lt3A_68 : i32
      %ne3A_70 = arith.xori %lt3A_67, %lt3A_69 : i1
      %and3A_71 = arith.andi %ne3A_70, %ne3A_66 : i1
      %add3A_72 = arith.addi %rem3A_64, %select_n3A_63 : i32
      %select_n3A_73 = arith.select %and3A_71, %add3A_72, %rem3A_64 : i32
      %mul3A_74 = arith.constant 16 : i32
      %mul3A_75 = arith.muli %select_n3A_73, %mul3A_74 : i32
      %mul3A_76 = arith.constant 16 : i32
      %mul3A_77 = arith.muli %scan3A_43, %mul3A_76 : i32
      %get3A_78 = arith.index_cast %mul3A_77 : i32 to index
      %get3A_79 = tpu.vector_load %arg11[%get3A_78] {strides = array<i32>} : memref<512xf32, #tpu.memory_space<vmem>>, vector<16xf32>,
      %add3A_80 = arith.constant 0 : i32
      %add3A_81 = arith.addi %add3A_80, %select_n3A : i32
      %mul3A_82 = arith.constant 128 : i32
      %mul3A_83 = arith.muli %add3A_81, %mul3A_82 : i32
      %add3A_84 = arith.addi %mul3A_83, %mul3A_75 : i32
      %get3A_85 = arith.index_cast %add3A_84 : i32 to index
      %get3A_86 = tpu.vector_load %arg8[%get3A_85] {strides = array<i32>} : memref<13312xf32, #tpu.memory_space<vmem>>, vector<16xf32>,
      %slice3A = vector.extract_strided_slice %get3A_22 {offsets = [0], sizes = [1], strides = [1]} : vector<16xf32> to vector<1xf32>
      %squeeze3A = vector.extract %slice3A[0] : f32 from vector<1xf32>
      %mul3A_87 = vector.broadcast %squeeze3A : f32 to vector<16xf32>
      %mul3A_88 = arith.mulf %get3A_86, %mul3A_87 : vector<16xf32>
      %add3A_89 = arith.addf %get3A_79, %mul3A_88 : vector<16xf32>
      %add3A_90 = arith.constant 4 : i32
      %add3A_91 = arith.addi %add3A_90, %select_n3A : i32
      %mul3A_92 = arith.constant 128 : i32
      %mul3A_93 = arith.muli %add3A_91, %mul3A_92 : i32
      %add3A_94 = arith.addi %mul3A_93, %mul3A_75 : i32
      %get3A_95 = arith.index_cast %add3A_94 : i32 to index
      %get3A_96 = tpu.vector_load %arg8[%get3A_95] {strides = array<i32>} : memref<13312xf32, #tpu.memory_space<vmem>>, vector<16xf32>,
      %slice3A_97 = vector.extract_strided_slice %get3A_22 {offsets = [1], sizes = [1], strides = [1]} : vector<16xf32> to vector<1xf32>
      %squeeze3A_98 = vector.extract %slice3A_97[0] : f32 from vector<1xf32>
      %mul3A_99 = vector.broadcast %squeeze3A_98 : f32 to vector<16xf32>
      %mul3A_100 = arith.mulf %get3A_96, %mul3A_99 : vector<16xf32>
      %add3A_101 = arith.addf %add3A_89, %mul3A_100 : vector<16xf32>
      %add3A_102 = arith.constant 8 : i32
      %add3A_103 = arith.addi %add3A_102, %select_n3A : i32
      %mul3A_104 = arith.constant 128 : i32
      %mul3A_105 = arith.muli %add3A_103, %mul3A_104 : i32
      %add3A_106 = arith.addi %mul3A_105, %mul3A_75 : i32
      %get3A_107 = arith.index_cast %add3A_106 : i32 to index
      %get3A_108 = tpu.vector_load %arg8[%get3A_107] {strides = array<i32>} : memref<13312xf32, #tpu.memory_space<vmem>>, vector<16xf32>,
      %slice3A_109 = vector.extract_strided_slice %get3A_22 {offsets = [2], sizes = [1], strides = [1]} : vector<16xf32> to vector<1xf32>
      %squeeze3A_110 = vector.extract %slice3A_109[0] : f32 from vector<1xf32>
      %mul3A_111 = vector.broadcast %squeeze3A_110 : f32 to vector<16xf32>
      %mul3A_112 = arith.mulf %get3A_108, %mul3A_111 : vector<16xf32>
      %add3A_113 = arith.addf %add3A_101, %mul3A_112 : vector<16xf32>
      %add3A_114 = arith.constant 12 : i32
      %add3A_115 = arith.addi %add3A_114, %select_n3A : i32
      %mul3A_116 = arith.constant 128 : i32
      %mul3A_117 = arith.muli %add3A_115, %mul3A_116 : i32
      %add3A_118 = arith.addi %mul3A_117, %mul3A_75 : i32
      %get3A_119 = arith.index_cast %add3A_118 : i32 to index
      %get3A_120 = tpu.vector_load %arg8[%get3A_119] {strides = array<i32>} : memref<13312xf32, #tpu.memory_space<vmem>>, vector<16xf32>,
      %slice3A_121 = vector.extract_strided_slice %get3A_22 {offsets = [3], sizes = [1], strides = [1]} : vector<16xf32> to vector<1xf32>
      %squeeze3A_122 = vector.extract %slice3A_121[0] : f32 from vector<1xf32>
      %mul3A_123 = vector.broadcast %squeeze3A_122 : f32 to vector<16xf32>
      %mul3A_124 = arith.mulf %get3A_120, %mul3A_123 : vector<16xf32>
      %add3A_125 = arith.addf %add3A_113, %mul3A_124 : vector<16xf32>
      %add3A_126 = arith.constant 16 : i32
      %add3A_127 = arith.addi %add3A_126, %select_n3A : i32
      %mul3A_128 = arith.constant 128 : i32
      %mul3A_129 = arith.muli %add3A_127, %mul3A_128 : i32
      %add3A_130 = arith.addi %mul3A_129, %mul3A_75 : i32
      %get3A_131 = arith.index_cast %add3A_130 : i32 to index
      %get3A_132 = tpu.vector_load %arg8[%get3A_131] {strides = array<i32>} : memref<13312xf32, #tpu.memory_space<vmem>>, vector<16xf32>,
      %slice3A_133 = vector.extract_strided_slice %get3A_22 {offsets = [4], sizes = [1], strides = [1]} : vector<16xf32> to vector<1xf32>
      %squeeze3A_134 = vector.extract %slice3A_133[0] : f32 from vector<1xf32>
      %mul3A_135 = vector.broadcast %squeeze3A_134 : f32 to vector<16xf32>
      %mul3A_136 = arith.mulf %get3A_132, %mul3A_135 : vector<16xf32>
      %add3A_137 = arith.addf %add3A_125, %mul3A_136 : vector<16xf32>
      %add3A_138 = arith.constant 20 : i32
      %add3A_139 = arith.addi %add3A_138, %select_n3A : i32
      %mul3A_140 = arith.constant 128 : i32
      %mul3A_141 = arith.muli %add3A_139, %mul3A_140 : i32
      %add3A_142 = arith.addi %mul3A_141, %mul3A_75 : i32
      %get3A_143 = arith.index_cast %add3A_142 : i32 to index
      %get3A_144 = tpu.vector_load %arg8[%get3A_143] {strides = array<i32>} : memref<13312xf32, #tpu.memory_space<vmem>>, vector<16xf32>,
      %slice3A_145 = vector.extract_strided_slice %get3A_22 {offsets = [5], sizes = [1], strides = [1]} : vector<16xf32> to vector<1xf32>
      %squeeze3A_146 = vector.extract %slice3A_145[0] : f32 from vector<1xf32>
      %mul3A_147 = vector.broadcast %squeeze3A_146 : f32 to vector<16xf32>
      %mul3A_148 = arith.mulf %get3A_144, %mul3A_147 : vector<16xf32>
      %add3A_149 = arith.addf %add3A_137, %mul3A_148 : vector<16xf32>
      %add3A_150 = arith.constant 24 : i32
      %add3A_151 = arith.addi %add3A_150, %select_n3A : i32
      %mul3A_152 = arith.constant 128 : i32
      %mul3A_153 = arith.muli %add3A_151, %mul3A_152 : i32
      %add3A_154 = arith.addi %mul3A_153, %mul3A_75 : i32
      %get3A_155 = arith.index_cast %add3A_154 : i32 to index
      %get3A_156 = tpu.vector_load %arg8[%get3A_155] {strides = array<i32>} : memref<13312xf32, #tpu.memory_space<vmem>>, vector<16xf32>,
      %slice3A_157 = vector.extract_strided_slice %get3A_22 {offsets = [6], sizes = [1], strides = [1]} : vector<16xf32> to vector<1xf32>
      %squeeze3A_158 = vector.extract %slice3A_157[0] : f32 from vector<1xf32>
      %mul3A_159 = vector.broadcast %squeeze3A_158 : f32 to vector<16xf32>
      %mul3A_160 = arith.mulf %get3A_156, %mul3A_159 : vector<16xf32>
      %add3A_161 = arith.addf %add3A_149, %mul3A_160 : vector<16xf32>
      %add3A_162 = arith.constant 28 : i32
      %add3A_163 = arith.addi %add3A_162, %select_n3A : i32
      %mul3A_164 = arith.constant 128 : i32
      %mul3A_165 = arith.muli %add3A_163, %mul3A_164 : i32
      %add3A_166 = arith.addi %mul3A_165, %mul3A_75 : i32
      %get3A_167 = arith.index_cast %add3A_166 : i32 to index
      %get3A_168 = tpu.vector_load %arg8[%get3A_167] {strides = array<i32>} : memref<13312xf32, #tpu.memory_space<vmem>>, vector<16xf32>,
      %slice3A_169 = vector.extract_strided_slice %get3A_22 {offsets = [7], sizes = [1], strides = [1]} : vector<16xf32> to vector<1xf32>
      %squeeze3A_170 = vector.extract %slice3A_169[0] : f32 from vector<1xf32>
      %mul3A_171 = vector.broadcast %squeeze3A_170 : f32 to vector<16xf32>
      %mul3A_172 = arith.mulf %get3A_168, %mul3A_171 : vector<16xf32>
      %add3A_173 = arith.addf %add3A_161, %mul3A_172 : vector<16xf32>
      %add3A_174 = arith.constant 32 : i32
      %add3A_175 = arith.addi %add3A_174, %select_n3A : i32
      %mul3A_176 = arith.constant 128 : i32
      %mul3A_177 = arith.muli %add3A_175, %mul3A_176 : i32
      %add3A_178 = arith.addi %mul3A_177, %mul3A_75 : i32
      %get3A_179 = arith.index_cast %add3A_178 : i32 to index
      %get3A_180 = tpu.vector_load %arg8[%get3A_179] {strides = array<i32>} : memref<13312xf32, #tpu.memory_space<vmem>>, vector<16xf32>,
      %slice3A_181 = vector.extract_strided_slice %get3A_22 {offsets = [8], sizes = [1], strides = [1]} : vector<16xf32> to vector<1xf32>
      %squeeze3A_182 = vector.extract %slice3A_181[0] : f32 from vector<1xf32>
      %mul3A_183 = vector.broadcast %squeeze3A_182 : f32 to vector<16xf32>
      %mul3A_184 = arith.mulf %get3A_180, %mul3A_183 : vector<16xf32>
      %add3A_185 = arith.addf %add3A_173, %mul3A_184 : vector<16xf32>
      %add3A_186 = arith.constant 36 : i32
      %add3A_187 = arith.addi %add3A_186, %select_n3A : i32
      %mul3A_188 = arith.constant 128 : i32
      %mul3A_189 = arith.muli %add3A_187, %mul3A_188 : i32
      %add3A_190 = arith.addi %mul3A_189, %mul3A_75 : i32
      %get3A_191 = arith.index_cast %add3A_190 : i32 to index
      %get3A_192 = tpu.vector_load %arg8[%get3A_191] {strides = array<i32>} : memref<13312xf32, #tpu.memory_space<vmem>>, vector<16xf32>,
      %slice3A_193 = vector.extract_strided_slice %get3A_22 {offsets = [9], sizes = [1], strides = [1]} : vector<16xf32> to vector<1xf32>
      %squeeze3A_194 = vector.extract %slice3A_193[0] : f32 from vector<1xf32>
      %mul3A_195 = vector.broadcast %squeeze3A_194 : f32 to vector<16xf32>
      %mul3A_196 = arith.mulf %get3A_192, %mul3A_195 : vector<16xf32>
      %add3A_197 = arith.addf %add3A_185, %mul3A_196 : vector<16xf32>
      %add3A_198 = arith.constant 40 : i32
      %add3A_199 = arith.addi %add3A_198, %select_n3A : i32
      %mul3A_200 = arith.constant 128 : i32
      %mul3A_201 = arith.muli %add3A_199, %mul3A_200 : i32
      %add3A_202 = arith.addi %mul3A_201, %mul3A_75 : i32
      %get3A_203 = arith.index_cast %add3A_202 : i32 to index
      %get3A_204 = tpu.vector_load %arg8[%get3A_203] {strides = array<i32>} : memref<13312xf32, #tpu.memory_space<vmem>>, vector<16xf32>,
      %slice3A_205 = vector.extract_strided_slice %get3A_22 {offsets = [10], sizes = [1], strides = [1]} : vector<16xf32> to vector<1xf32>
      %squeeze3A_206 = vector.extract %slice3A_205[0] : f32 from vector<1xf32>
      %mul3A_207 = vector.broadcast %squeeze3A_206 : f32 to vector<16xf32>
      %mul3A_208 = arith.mulf %get3A_204, %mul3A_207 : vector<16xf32>
      %add3A_209 = arith.addf %add3A_197, %mul3A_208 : vector<16xf32>
      %add3A_210 = arith.constant 44 : i32
      %add3A_211 = arith.addi %add3A_210, %select_n3A : i32
      %mul3A_212 = arith.constant 128 : i32
      %mul3A_213 = arith.muli %add3A_211, %mul3A_212 : i32
      %add3A_214 = arith.addi %mul3A_213, %mul3A_75 : i32
      %get3A_215 = arith.index_cast %add3A_214 : i32 to index
      %get3A_216 = tpu.vector_load %arg8[%get3A_215] {strides = array<i32>} : memref<13312xf32, #tpu.memory_space<vmem>>, vector<16xf32>,
      %slice3A_217 = vector.extract_strided_slice %get3A_22 {offsets = [11], sizes = [1], strides = [1]} : vector<16xf32> to vector<1xf32>
      %squeeze3A_218 = vector.extract %slice3A_217[0] : f32 from vector<1xf32>
      %mul3A_219 = vector.broadcast %squeeze3A_218 : f32 to vector<16xf32>
      %mul3A_220 = arith.mulf %get3A_216, %mul3A_219 : vector<16xf32>
      %add3A_221 = arith.addf %add3A_209, %mul3A_220 : vector<16xf32>
      %add3A_222 = arith.constant 48 : i32
      %add3A_223 = arith.addi %add3A_222, %select_n3A : i32
      %mul3A_224 = arith.constant 128 : i32
      %mul3A_225 = arith.muli %add3A_223, %mul3A_224 : i32
      %add3A_226 = arith.addi %mul3A_225, %mul3A_75 : i32
      %get3A_227 = arith.index_cast %add3A_226 : i32 to index
      %get3A_228 = tpu.vector_load %arg8[%get3A_227] {strides = array<i32>} : memref<13312xf32, #tpu.memory_space<vmem>>, vector<16xf32>,
      %slice3A_229 = vector.extract_strided_slice %get3A_22 {offsets = [12], sizes = [1], strides = [1]} : vector<16xf32> to vector<1xf32>
      %squeeze3A_230 = vector.extract %slice3A_229[0] : f32 from vector<1xf32>
      %mul3A_231 = vector.broadcast %squeeze3A_230 : f32 to vector<16xf32>
      %mul3A_232 = arith.mulf %get3A_228, %mul3A_231 : vector<16xf32>
      %add3A_233 = arith.addf %add3A_221, %mul3A_232 : vector<16xf32>
      %add3A_234 = arith.constant 52 : i32
      %add3A_235 = arith.addi %add3A_234, %select_n3A : i32
      %mul3A_236 = arith.constant 128 : i32
      %mul3A_237 = arith.muli %add3A_235, %mul3A_236 : i32
      %add3A_238 = arith.addi %mul3A_237, %mul3A_75 : i32
      %get3A_239 = arith.index_cast %add3A_238 : i32 to index
      %get3A_240 = tpu.vector_load %arg8[%get3A_239] {strides = array<i32>} : memref<13312xf32, #tpu.memory_space<vmem>>, vector<16xf32>,
      %slice3A_241 = vector.extract_strided_slice %get3A_22 {offsets = [13], sizes = [1], strides = [1]} : vector<16xf32> to vector<1xf32>
      %squeeze3A_242 = vector.extract %slice3A_241[0] : f32 from vector<1xf32>
      %mul3A_243 = vector.broadcast %squeeze3A_242 : f32 to vector<16xf32>
      %mul3A_244 = arith.mulf %get3A_240, %mul3A_243 : vector<16xf32>
      %add3A_245 = arith.addf %add3A_233, %mul3A_244 : vector<16xf32>
      %add3A_246 = arith.constant 56 : i32
      %add3A_247 = arith.addi %add3A_246, %select_n3A : i32
      %mul3A_248 = arith.constant 128 : i32
      %mul3A_249 = arith.muli %add3A_247, %mul3A_248 : i32
      %add3A_250 = arith.addi %mul3A_249, %mul3A_75 : i32
      %get3A_251 = arith.index_cast %add3A_250 : i32 to index
      %get3A_252 = tpu.vector_load %arg8[%get3A_251] {strides = array<i32>} : memref<13312xf32, #tpu.memory_space<vmem>>, vector<16xf32>,
      %slice3A_253 = vector.extract_strided_slice %get3A_22 {offsets = [14], sizes = [1], strides = [1]} : vector<16xf32> to vector<1xf32>
      %squeeze3A_254 = vector.extract %slice3A_253[0] : f32 from vector<1xf32>
      %mul3A_255 = vector.broadcast %squeeze3A_254 : f32 to vector<16xf32>
      %mul3A_256 = arith.mulf %get3A_252, %mul3A_255 : vector<16xf32>
      %add3A_257 = arith.addf %add3A_245, %mul3A_256 : vector<16xf32>
      %add3A_258 = arith.constant 60 : i32
      %add3A_259 = arith.addi %add3A_258, %select_n3A : i32
      %mul3A_260 = arith.constant 128 : i32
      %mul3A_261 = arith.muli %add3A_259, %mul3A_260 : i32
      %add3A_262 = arith.addi %mul3A_261, %mul3A_75 : i32
      %get3A_263 = arith.index_cast %add3A_262 : i32 to index
      %get3A_264 = tpu.vector_load %arg8[%get3A_263] {strides = array<i32>} : memref<13312xf32, #tpu.memory_space<vmem>>, vector<16xf32>,
      %slice3A_265 = vector.extract_strided_slice %get3A_22 {offsets = [15], sizes = [1], strides = [1]} : vector<16xf32> to vector<1xf32>
      %squeeze3A_266 = vector.extract %slice3A_265[0] : f32 from vector<1xf32>
      %mul3A_267 = vector.broadcast %squeeze3A_266 : f32 to vector<16xf32>
      %mul3A_268 = arith.mulf %get3A_264, %mul3A_267 : vector<16xf32>
      %add3A_269 = arith.addf %add3A_257, %mul3A_268 : vector<16xf32>
      %add3A_270 = arith.constant 64 : i32
      %add3A_271 = arith.addi %add3A_270, %select_n3A : i32
      %mul3A_272 = arith.constant 128 : i32
      %mul3A_273 = arith.muli %add3A_271, %mul3A_272 : i32
      %add3A_274 = arith.addi %mul3A_273, %mul3A_75 : i32
      %get3A_275 = arith.index_cast %add3A_274 : i32 to index
      %get3A_276 = tpu.vector_load %arg8[%get3A_275] {strides = array<i32>} : memref<13312xf32, #tpu.memory_space<vmem>>, vector<16xf32>,
      %slice3A_277 = vector.extract_strided_slice %get3A_24 {offsets = [0], sizes = [1], strides = [1]} : vector<16xf32> to vector<1xf32>
      %squeeze3A_278 = vector.extract %slice3A_277[0] : f32 from vector<1xf32>
      %mul3A_279 = vector.broadcast %squeeze3A_278 : f32 to vector<16xf32>
      %mul3A_280 = arith.mulf %get3A_276, %mul3A_279 : vector<16xf32>
      %add3A_281 = arith.addf %add3A_269, %mul3A_280 : vector<16xf32>
      %add3A_282 = arith.constant 68 : i32
      %add3A_283 = arith.addi %add3A_282, %select_n3A : i32
      %mul3A_284 = arith.constant 128 : i32
      %mul3A_285 = arith.muli %add3A_283, %mul3A_284 : i32
      %add3A_286 = arith.addi %mul3A_285, %mul3A_75 : i32
      %get3A_287 = arith.index_cast %add3A_286 : i32 to index
      %get3A_288 = tpu.vector_load %arg8[%get3A_287] {strides = array<i32>} : memref<13312xf32, #tpu.memory_space<vmem>>, vector<16xf32>,
      %slice3A_289 = vector.extract_strided_slice %get3A_24 {offsets = [1], sizes = [1], strides = [1]} : vector<16xf32> to vector<1xf32>
      %squeeze3A_290 = vector.extract %slice3A_289[0] : f32 from vector<1xf32>
      %mul3A_291 = vector.broadcast %squeeze3A_290 : f32 to vector<16xf32>
      %mul3A_292 = arith.mulf %get3A_288, %mul3A_291 : vector<16xf32>
      %add3A_293 = arith.addf %add3A_281, %mul3A_292 : vector<16xf32>
      %add3A_294 = arith.constant 72 : i32
      %add3A_295 = arith.addi %add3A_294, %select_n3A : i32
      %mul3A_296 = arith.constant 128 : i32
      %mul3A_297 = arith.muli %add3A_295, %mul3A_296 : i32
      %add3A_298 = arith.addi %mul3A_297, %mul3A_75 : i32
      %get3A_299 = arith.index_cast %add3A_298 : i32 to index
      %get3A_300 = tpu.vector_load %arg8[%get3A_299] {strides = array<i32>} : memref<13312xf32, #tpu.memory_space<vmem>>, vector<16xf32>,
      %slice3A_301 = vector.extract_strided_slice %get3A_24 {offsets = [2], sizes = [1], strides = [1]} : vector<16xf32> to vector<1xf32>
      %squeeze3A_302 = vector.extract %slice3A_301[0] : f32 from vector<1xf32>
      %mul3A_303 = vector.broadcast %squeeze3A_302 : f32 to vector<16xf32>
      %mul3A_304 = arith.mulf %get3A_300, %mul3A_303 : vector<16xf32>
      %add3A_305 = arith.addf %add3A_293, %mul3A_304 : vector<16xf32>
      %add3A_306 = arith.constant 76 : i32
      %add3A_307 = arith.addi %add3A_306, %select_n3A : i32
      %mul3A_308 = arith.constant 128 : i32
      %mul3A_309 = arith.muli %add3A_307, %mul3A_308 : i32
      %add3A_310 = arith.addi %mul3A_309, %mul3A_75 : i32
      %get3A_311 = arith.index_cast %add3A_310 : i32 to index
      %get3A_312 = tpu.vector_load %arg8[%get3A_311] {strides = array<i32>} : memref<13312xf32, #tpu.memory_space<vmem>>, vector<16xf32>,
      %slice3A_313 = vector.extract_strided_slice %get3A_24 {offsets = [3], sizes = [1], strides = [1]} : vector<16xf32> to vector<1xf32>
      %squeeze3A_314 = vector.extract %slice3A_313[0] : f32 from vector<1xf32>
      %mul3A_315 = vector.broadcast %squeeze3A_314 : f32 to vector<16xf32>
      %mul3A_316 = arith.mulf %get3A_312, %mul3A_315 : vector<16xf32>
      %add3A_317 = arith.addf %add3A_305, %mul3A_316 : vector<16xf32>
      %add3A_318 = arith.constant 80 : i32
      %add3A_319 = arith.addi %add3A_318, %select_n3A : i32
      %mul3A_320 = arith.constant 128 : i32
      %mul3A_321 = arith.muli %add3A_319, %mul3A_320 : i32
      %add3A_322 = arith.addi %mul3A_321, %mul3A_75 : i32
      %get3A_323 = arith.index_cast %add3A_322 : i32 to index
      %get3A_324 = tpu.vector_load %arg8[%get3A_323] {strides = array<i32>} : memref<13312xf32, #tpu.memory_space<vmem>>, vector<16xf32>,
      %slice3A_325 = vector.extract_strided_slice %get3A_24 {offsets = [4], sizes = [1], strides = [1]} : vector<16xf32> to vector<1xf32>
      %squeeze3A_326 = vector.extract %slice3A_325[0] : f32 from vector<1xf32>
      %mul3A_327 = vector.broadcast %squeeze3A_326 : f32 to vector<16xf32>
      %mul3A_328 = arith.mulf %get3A_324, %mul3A_327 : vector<16xf32>
      %add3A_329 = arith.addf %add3A_317, %mul3A_328 : vector<16xf32>
      %add3A_330 = arith.constant 84 : i32
      %add3A_331 = arith.addi %add3A_330, %select_n3A : i32
      %mul3A_332 = arith.constant 128 : i32
      %mul3A_333 = arith.muli %add3A_331, %mul3A_332 : i32
      %add3A_334 = arith.addi %mul3A_333, %mul3A_75 : i32
      %get3A_335 = arith.index_cast %add3A_334 : i32 to index
      %get3A_336 = tpu.vector_load %arg8[%get3A_335] {strides = array<i32>} : memref<13312xf32, #tpu.memory_space<vmem>>, vector<16xf32>,
      %slice3A_337 = vector.extract_strided_slice %get3A_24 {offsets = [5], sizes = [1], strides = [1]} : vector<16xf32> to vector<1xf32>
      %squeeze3A_338 = vector.extract %slice3A_337[0] : f32 from vector<1xf32>
      %mul3A_339 = vector.broadcast %squeeze3A_338 : f32 to vector<16xf32>
      %mul3A_340 = arith.mulf %get3A_336, %mul3A_339 : vector<16xf32>
      %add3A_341 = arith.addf %add3A_329, %mul3A_340 : vector<16xf32>
      %add3A_342 = arith.constant 88 : i32
      %add3A_343 = arith.addi %add3A_342, %select_n3A : i32
      %mul3A_344 = arith.constant 128 : i32
      %mul3A_345 = arith.muli %add3A_343, %mul3A_344 : i32
      %add3A_346 = arith.addi %mul3A_345, %mul3A_75 : i32
      %get3A_347 = arith.index_cast %add3A_346 : i32 to index
      %get3A_348 = tpu.vector_load %arg8[%get3A_347] {strides = array<i32>} : memref<13312xf32, #tpu.memory_space<vmem>>, vector<16xf32>,
      %slice3A_349 = vector.extract_strided_slice %get3A_24 {offsets = [6], sizes = [1], strides = [1]} : vector<16xf32> to vector<1xf32>
      %squeeze3A_350 = vector.extract %slice3A_349[0] : f32 from vector<1xf32>
      %mul3A_351 = vector.broadcast %squeeze3A_350 : f32 to vector<16xf32>
      %mul3A_352 = arith.mulf %get3A_348, %mul3A_351 : vector<16xf32>
      %add3A_353 = arith.addf %add3A_341, %mul3A_352 : vector<16xf32>
      %add3A_354 = arith.constant 92 : i32
      %add3A_355 = arith.addi %add3A_354, %select_n3A : i32
      %mul3A_356 = arith.constant 128 : i32
      %mul3A_357 = arith.muli %add3A_355, %mul3A_356 : i32
      %add3A_358 = arith.addi %mul3A_357, %mul3A_75 : i32
      %get3A_359 = arith.index_cast %add3A_358 : i32 to index
      %get3A_360 = tpu.vector_load %arg8[%get3A_359] {strides = array<i32>} : memref<13312xf32, #tpu.memory_space<vmem>>, vector<16xf32>,
      %slice3A_361 = vector.extract_strided_slice %get3A_24 {offsets = [7], sizes = [1], strides = [1]} : vector<16xf32> to vector<1xf32>
      %squeeze3A_362 = vector.extract %slice3A_361[0] : f32 from vector<1xf32>
      %mul3A_363 = vector.broadcast %squeeze3A_362 : f32 to vector<16xf32>
      %mul3A_364 = arith.mulf %get3A_360, %mul3A_363 : vector<16xf32>
      %add3A_365 = arith.addf %add3A_353, %mul3A_364 : vector<16xf32>
      %add3A_366 = arith.constant 96 : i32
      %add3A_367 = arith.addi %add3A_366, %select_n3A : i32
      %mul3A_368 = arith.constant 128 : i32
      %mul3A_369 = arith.muli %add3A_367, %mul3A_368 : i32
      %add3A_370 = arith.addi %mul3A_369, %mul3A_75 : i32
      %get3A_371 = arith.index_cast %add3A_370 : i32 to index
      %get3A_372 = tpu.vector_load %arg8[%get3A_371] {strides = array<i32>} : memref<13312xf32, #tpu.memory_space<vmem>>, vector<16xf32>,
      %slice3A_373 = vector.extract_strided_slice %get3A_24 {offsets = [8], sizes = [1], strides = [1]} : vector<16xf32> to vector<1xf32>
      %squeeze3A_374 = vector.extract %slice3A_373[0] : f32 from vector<1xf32>
      %mul3A_375 = vector.broadcast %squeeze3A_374 : f32 to vector<16xf32>
      %mul3A_376 = arith.mulf %get3A_372, %mul3A_375 : vector<16xf32>
      %add3A_377 = arith.addf %add3A_365, %mul3A_376 : vector<16xf32>
      %add3A_378 = arith.constant 100 : i32
      %add3A_379 = arith.addi %add3A_378, %select_n3A : i32
      %mul3A_380 = arith.constant 128 : i32
      %mul3A_381 = arith.muli %add3A_379, %mul3A_380 : i32
      %add3A_382 = arith.addi %mul3A_381, %mul3A_75 : i32
      %get3A_383 = arith.index_cast %add3A_382 : i32 to index
      %get3A_384 = tpu.vector_load %arg8[%get3A_383] {strides = array<i32>} : memref<13312xf32, #tpu.memory_space<vmem>>, vector<16xf32>,
      %slice3A_385 = vector.extract_strided_slice %get3A_24 {offsets = [9], sizes = [1], strides = [1]} : vector<16xf32> to vector<1xf32>
      %squeeze3A_386 = vector.extract %slice3A_385[0] : f32 from vector<1xf32>
      %mul3A_387 = vector.broadcast %squeeze3A_386 : f32 to vector<16xf32>
      %mul3A_388 = arith.mulf %get3A_384, %mul3A_387 : vector<16xf32>
      %add3A_389 = arith.addf %add3A_377, %mul3A_388 : vector<16xf32>
      %swap3A = arith.index_cast %mul3A_77 : i32 to index
      %swap3A_390 = tpu.vector_load %arg11[%swap3A] {strides = array<i32>} : memref<512xf32, #tpu.memory_space<vmem>>, vector<16xf32>,
      tpu.vector_store %arg11[%swap3A], %add3A_389 {strides = array<i32>} : memref<512xf32, #tpu.memory_space<vmem>>, vector<16xf32>,
    }
    %scan3A_42 = arith.constant 32 : i32
    "tpu.region"() ({
      %run_scoped3A = tpu.sem_alloc : memref<!tpu.dma_semaphore, #tpu.memory_space<semaphore_mem>>
      %dma_start3A_43 = tpu.memref_slice %arg6[%mul3A_2] : memref<16384xf32, #tpu.memory_space<hbm>> -> memref<512xf32, #tpu.memory_space<hbm>>
      %dma_start3A_44 = tpu.memref_slice %arg6[%mul3A_2] : memref<16384xf32, #tpu.memory_space<hbm>> -> memref<512xf32, #tpu.memory_space<hbm>>
      tpu.enqueue_dma source(%arg11 : memref<512xf32, #tpu.memory_space<vmem>>) target(%dma_start3A_44 : memref<512xf32, #tpu.memory_space<hbm>>) target_semaphore(%run_scoped3A : memref<!tpu.dma_semaphore, #tpu.memory_space<semaphore_mem>>)
      %dma_wait3A_45 = tpu.memref_slice %arg6[%mul3A_2] : memref<16384xf32, #tpu.memory_space<hbm>> -> memref<512xf32, #tpu.memory_space<hbm>>
      %dma_wait3A_46 = tpu.memref_slice %arg6[%mul3A_2] : memref<16384xf32, #tpu.memory_space<hbm>> -> memref<512xf32, #tpu.memory_space<hbm>>
      tpu.wait_dma2 semaphore(%run_scoped3A : memref<!tpu.dma_semaphore, #tpu.memory_space<semaphore_mem>>) src(%arg11 : memref<512xf32, #tpu.memory_space<vmem>>) dst(%dma_wait3A_46 : memref<512xf32, #tpu.memory_space<hbm>>)
      tpu.yield
    }) : () -> ()
    return
  }
}

</mosaic_0001>

<sc_bundles>
// kernel: kernel.3.cloned.1.call-start
scs
__scs_entry_jumppad:
0x0: {  	(pc) =	sbr.rel $0x88, $3  }
0x1: {  	(tag) =	ssettag $0x0;
	lr =	simm.s32 $0x1  }
0x2: {  	[smem:$0x3F9C] =	sst lr;
	_ =	strace $0xD0000000  }
0x3: {  	_ = 	snop  }
0x4: {  	_ = 	snop  }
0x5: {  	_ = 	snop  }
0x6: {  	_ = 	snop  }
0x7: {  	_ = 	snop  }
__scs_overlays_trampoline_lowered:
0x8: {  	[smem:$0x3FAB] =	sst s0  }
0x9: {  	[smem:$0x3FAC] =	sst s1  }
0xa: {  	[smem:$0x3FAD] =	sst s2  }
0xb: {  	[smem:$0x3FAE] =	sst s3  }
0xc: {  	[smem:$0x3FAF] =	sst s4  }
0xd: {  	[smem:$0x3FB0] =	sst s5  }
0xe: {  	[smem:$0x3FB1] =	sst s6  }
0xf: {  	[smem:$0x3FB2] =	sst s7  }
0x10: {  	[smem:$0x3FB3] =	sst s8  }
0x11: {  	[smem:$0x3FB4] =	sst s9;
	s0 =	simm.s32 @!p0 $0x0  }
0x12: {  	s1 =	sld [smem:$0x3F9A];
	s0 =	simm.s32 @p0 $0x1  }
0x13: {  	[smem:$0x3FB5] =	sst s0;
	s0 =	simm.s32 @!p1 $0x0  }
0x14: {  	s2 =	sld [smem:$0x3F99];
	s0 =	simm.s32 @p1 $0x1  }
0x15: {  	[smem:$0x3FB6] =	sst s0;
	s0 =	simm.s32 @!p2 $0x0  }
0x16: {  	s3 =	sld [smem:$0x3FDB];
	s0 =	simm.s32 @p2 $0x1  }
0x17: {  	s4 =	simm.s32 $0x1BF5;
	[smem:$0x3FB8] =	sst s0  }
0x18: {  	s0 =	sld [smem:$0x3F9B];
	_ =	swait.ge [sflag:s4], $0x0  }
0x19: {  	s7 =	sld [smem:$0x3F9C]  }
0x1a: {  	s8 =	sadd.s32 $0xFFFFE003, lr  }
0x1b: {  	s9 =	sadd.s32 $0xFFFFFEF7, lr;
	s5 =	simm.s32 $0xFFFFFFFF;
	p2 =	slt.u32 s8, $0xFFFFF086  }
0x1c: {  	p1 =	slt.u32 s9, $0xF7A;
	s5 =	simm.s32 @!p2 $0x0  }
0x1d: {  	s5 =	simm.s32 @p1 $0x1;
	p0 =	seq.s32 s7, s2  }
0x1e: {  	s7 =	smul.u32 @!p0 $0xF7A, s2;
	p2 =	seq.s32 @!p0 s5, $0x0  }
0x1f: {  	s9 =	smul.u32 $0xF7A, s1;
	s8 =	simm.s32 @!p0 $0x1BF5;
	p2 =	por !p2, p0  }
0x20: {  	[sflag:s8] =	ssyncset.s32 @!p0 $0xFFFFF086;
	s6 =	sadd.s32 @!p0 s3, s7;
	s7 =	simm.s32 @!p0 $0x108  }
0x21: {  	s3 =	sadd.s32 s3, s9;
	s6 =	sadd.s32 @!p0 $0x88, s6;
	s7 =	simm.s32 @p2 $0x1082  }
0x22: {  	[simem:s7], [sflag:s8] =	dma.local @!p0 [hbm:s6], $0xF7A  }
0x23: {  	s9 =	sor.u32 $0xD0000000, s2;
	s6 =	simm.s32 $0x108;
	_ =	swait.ge @!p0 [sflag:s8], $0x0  }
0x24: {  	s3 =	sadd.s32 $0x88, s3;
	s6 =	simm.s32 @!p1 $0x1082;
	[sflag:s4] =	ssyncset.s32 $0xFFFFF086  }
0x25: {  	[simem:s6], [sflag:s4] =	dma.local [hbm:s3], $0xF7A  }
0x26: {  	[smem:$0x3F9C] =	sst s1;
	(tag) =	ssettag s2;
	_ =	strace s9  }
0x27: {  	s1 =	sld [smem:$0x3FAC]  }
0x28: {  	s2 =	sld [smem:$0x3FAD]  }
0x29: {  	s4 =	sld [smem:$0x3FAF]  }
0x2a: {  	p0 =	seq.s32 s5, $0x0;
	s5 =	sld [smem:$0x3FB0]  }
0x2b: {  	s6 =	sld [smem:$0x3FB1]  }
0x2c: {  	s7 =	sld [smem:$0x3FB2]  }
0x2d: {  	s3 =	simm.s32 $0x108;
	s8 =	sld [smem:$0x3FB3]  }
0x2e: {  	s3 =	simm.s32 @!p0 $0x1082;
	s9 =	sld [smem:$0x3FB4]  }
0x2f: {  	lr =	sadd.s32 s0, s3;
	s0 =	sld [smem:$0x3FAB]  }
0x30: {  	s3 =	sld [smem:$0x3FAE]  }
0x31: {  	[smem:$0x3FB7] =	sst s10  }
0x32: {  	s10 =	sld [smem:$0x3FB5];
	_ =	sdelay $0x3  }
0x33: {  	p0 =	seq.s32 s10, $0x1;
	s10 =	sld [smem:$0x3FB7];
	_ =	sdelay $0x3  }
0x34: {  	[smem:$0x3FB7] =	sst s10  }
0x35: {  	s10 =	sld [smem:$0x3FB6];
	_ =	sdelay $0x3  }
0x36: {  	p1 =	seq.s32 s10, $0x1;
	s10 =	sld [smem:$0x3FB7];
	_ =	sdelay $0x3  }
0x37: {  	[smem:$0x3FB7] =	sst s10  }
0x38: {  	s10 =	sld [smem:$0x3FB8]  }
0x39: {  	_ = 	snop;
	(pc) =	sbr.ind lr, $3  }
0x3a: {  	_ = 	snop  }
0x3b: {  	_ = 	snop  }
0x3c: {  	p2 =	seq.s32 s10, $0x1;
	s10 =	sld [smem:$0x3FB7]  }
0x3d: {  	_ =	shalt  }
0x3e: {  	_ =	shalt  }
0x3f: {  	_ =	shalt  }
0x40: {  	_ =	shalt  }
0x41: {  	_ =	shalt  }
0x42: {  	_ =	shalt  }
0x43: {  	_ =	shalt  }
0x44: {  	_ =	shalt  }
0x45: {  	_ =	shalt  }
0x46: {  	_ =	shalt  }
0x47: {  	_ =	shalt  }
0x48: {  	_ =	shalt  }
0x49: {  	_ =	shalt  }
0x4a: {  	_ =	shalt  }
0x4b: {  	_ =	shalt  }
0x4c: {  	_ =	shalt  }
0x4d: {  	_ =	shalt  }
0x4e: {  	_ =	shalt  }
0x4f: {  	_ =	shalt  }
0x50: {  	_ =	shalt  }
0x51: {  	_ =	shalt  }
0x52: {  	_ =	shalt  }
0x53: {  	_ =	shalt  }
0x54: {  	_ =	shalt  }
0x55: {  	_ =	shalt  }
0x56: {  	_ =	shalt  }
0x57: {  	_ =	shalt  }
0x58: {  	_ =	shalt  }
0x59: {  	_ =	shalt  }
0x5a: {  	_ =	shalt  }
0x5b: {  	_ =	shalt  }
0x5c: {  	_ =	shalt  }
0x5d: {  	_ =	shalt  }
0x5e: {  	_ =	shalt  }
0x5f: {  	_ =	shalt  }
0x60: {  	_ =	shalt  }
0x61: {  	_ =	shalt  }
0x62: {  	_ =	shalt  }
0x63: {  	_ =	shalt  }
0x64: {  	_ =	shalt  }
0x65: {  	_ =	shalt  }
0x66: {  	_ =	shalt  }
0x67: {  	_ =	shalt  }
0x68: {  	_ =	shalt  }
0x69: {  	_ =	shalt  }
0x6a: {  	_ =	shalt  }
0x6b: {  	_ =	shalt  }
0x6c: {  	_ =	shalt  }
0x6d: {  	_ =	shalt  }
0x6e: {  	_ =	shalt  }
0x6f: {  	_ =	shalt  }
0x70: {  	_ =	shalt  }
0x71: {  	_ =	shalt  }
0x72: {  	_ =	shalt  }
0x73: {  	_ =	shalt  }
0x74: {  	_ =	shalt  }
0x75: {  	_ =	shalt  }
0x76: {  	_ =	shalt  }
0x77: {  	_ =	shalt  }
0x78: {  	_ =	shalt  }
0x79: {  	_ =	shalt  }
0x7a: {  	_ =	shalt  }
0x7b: {  	_ =	shalt  }
0x7c: {  	_ =	shalt  }
0x7d: {  	_ =	shalt  }
0x7e: {  	_ =	shalt  }
0x7f: {  	_ =	shalt  }
0x80: {  	_ =	shalt  }
0x81: {  	_ =	shalt  }
0x82: {  	_ =	shalt  }
0x83: {  	_ =	shalt  }
0x84: {  	_ =	shalt  }
0x85: {  	_ =	shalt  }
0x86: {  	_ =	shalt  }
0x87: {  	_ =	shalt  }
.Lfunc_end0:
.L_simem_size_0:
called_computation_lowered:
.L_overlay_start_0:
0x88: {  	s2 =	sld [smem:$0x3FD9]  }
0x89: {  	s3 =	sld [smem:$0x3FFE];
	_ =	sdelay $0x1  }
0x8a: {  	s1 =	srdreg.scid  }
0x8b: {  	s0 =	sand.u32 $0x1, s1  }
0x8c: {  	s17 =	sshll.u32 s0, $0xA;
	s2 =	sadd.s32 s3, s2  }
0x8d: {  	s2 =	sadd.s32 s2, s17  }
0x8e: {  	[smem:$0x3FC3] =	sst s2  }
0x8f: {  	_ = 	snop  }
0x90: {  	s2 =	sld [smem:$0x3FC7]  }
0x91: {  	s18 =	sld [smem:$0x3FD0];
	(tm) =	ssettm $0x1  }
0x92: {  	s4 =	sld [smem:$0x3FFB];
	_ =	sdelay $0x3  }
0x93: {  	_ =	strace s4  }
0x94: {  	s4 =	sld [smem:$0x3FFC];
	_ =	sdelay $0x3  }
0x95: {  	_ =	strace s4  }
0x96: {  	s4 =	sld [smem:$0x3FFD];
	_ =	sdelay $0x3  }
0x97: {  	_ =	strace s4  }
0x98: {  	_ =	strace $0x8FFFFFFF  }
0x99: {  	s19 =	sld [smem:$0x3FDB];
	_ =	sdelay $0x1  }
0x9a: {  	s5 =	simm.s32 $_scs_section_size  }
0x9b: {  	s6 =	simm.s32 $_size__tile_overlayer_lowered;
	s7 =	simm.s32 $_tile_overlayer_lowered  }
0x9c: {  	s22 =	simm.s32 $0x1BFF;
	s21 =	sshll.u32 s7, $0x1;
	s4 =	sadd.s32 s5, s19  }
0x9d: {  	s8 =	simm.s32 $0x0;
	s20 =	sshll.u32 s6, $0x1;
	s6 =	sadd.s32 s21, s4  }
0x9e: {  	[timem:s8], [sflag:s22] =	dma.local [hbm:s6], s20  }
0x9f: {  	_ =	swait.ge [sflag:s22], s20  }
0xa0: {  	s5 =	ssub.s32 $0x0, s20;
	[sflag:s22] =	ssyncset.done $0x0  }
0xa1: {  	[sflag:s22] =	ssyncadd.s32 s5;
	_ =	sdelay $0x1  }
0xa2: {  	s23 =	simm.s32 $0x1B8B  }
0xa3: {  	_ =	swait.ge [sflag:s23], $0x1  }
0xa4: {  	[sflag:s23] =	ssyncset.done $0x0  }
0xa5: {  	s25 =	simm.s32 $0x1B8E;
	s24 =	sld [smem:$0x3FFE];
	[sflag:s23] =	ssyncadd.s32 $0xFFFFFFFF  }
0xa6: {  	s26 =	simm.s32 $execute0_lowered;
	[smem:$0x3FD2] =	sst s25  }
0xa7: {  	s6 =	sshll.u32 s26, $0x1;
	_ =	strace $0x80000046;
	[dreg:$0x1] =	wrdreg $0xFFFFFFFF  }
0xa8: {  	s28 =	simm.s32 $_size_execute0_lowered;
	s4 =	sadd.s32 s4, s6;
	[dreg:$0x0] =	wrdreg $0x0  }
0xa9: {  	s6 =	sshll.u32 s28, $0x1;
	[dreg:$0x2] =	wrdreg s4  }
0xaa: {  	[dreg:$0x3] =	wrdreg s6  }
0xab: {  	[dreg:$0x4] =	wrdreg $0xC0  }
0xac: {  	_ =	task [dreg:s8], $0x5FFFF  }
0xad: {  	[dreg:$0x1] =	wrdreg $0xFFFFFFFF  }
0xae: {  	[dreg:$0x0] =	wrdreg $0x60  }
0xaf: {  	[dreg:$0x2] =	wrdreg s24  }
0xb0: {  	[dreg:$0x3] =	wrdreg s2  }
0xb1: {  	[dreg:$0x4] =	wrdreg s18  }
0xb2: {  	[dreg:$0x5] =	wrdreg $0x9  }
0xb3: {  	_ =	task.clear_ibuf [dreg:s8], $0x6FFFF;
	_ =	strace $0x90000046  }
0xb4: {  	s29 =	simm.s32 $0x9;
	_ =	strace $0x80000048  }
0xb5: {  	_ =	swait.ge [sflag:s29], $0x1  }
0xb6: {  	[sflag:s29] =	ssyncadd.s32 $0xFFFFFFFF  }
0xb7: {  	_ =	strace $0x90000048  }
0xb8: {  	_ =	sfence  }
0xb9: {  	s30 =	sld [smem:$0x0];
	_ =	sdelay $0x2  }
0xba: {  	s31 =	sshll.u32 s1, $0xD;
	s1 =	sshrl.u32 s1, $0x2  }
0xbb: {  	s3 =	sand.u32 $0x4000, s31;
	s1 =	sadd.s32 s1, s30  }
0xbc: {  	s0 =	sor.u32 s3, s0;
	s1 =	sshll.u32 s1, $0x11  }
0xbd: {  	s0 =	sor.u32 s1, s0  }
0xbe: {  	s0 =	sadd.s32 $0x8F2B, s0  }
0xbf: {  	[sflag:s0] =	ssyncadd.remote.s32 $0x1  }
0xc0: {  	_ =	sfence.sel $0xFFFF  }
0xc1: {  	[dreg:$0x0] =	wrdreg $0xFFFFFFFF;
	(pc) =	sbr.abs _section_cstart, $3  }
0xc2: {  	[dreg:$0x1] =	wrdreg $0xFFFFFFFF  }
0xc3: {  	_ =	task.clear_ibuf [dreg:s8], $0x2FFFF;
	_ =	strace $0x9FFFFFFF  }
0xc4: {  	(tm) =	ssettm $0x7FFFFFFF  }
0xc5: {  	_ =	shalt  }
tec
execute0_lowered:
.L_overlay_start_1:
0x0: {  	(tag) =	ssettag $0x1  }
0x1: {  	s4 =	rddreg [dreg:$0x0]  }
0x2: {  	s2 =	rddreg [dreg:$0x1];
	s1 =	srdreg.scid  }
0x3: {  	s0 =	stileid.u32;
	s7 =	rddreg [dreg:$0x2];
	s3 =	simm.s32 $0x0  }
0x4: {  	s12 =	simm.s32 $0x80;
	s13 =	simm.s32 $0x2;
	s14 =	simm.s32 $0x1  }
0x5: {  	s15 =	simm.s32 $0x8880;
	s5 =	sand.u32 $0x1, s1;
	s1 =	rddreg [dreg:$0x3]  }
0x6: {  	s16 =	simm.s32 $0x0;
	s6 =	sshll.u32 s0, $0x1;
	[smem:$0x7FF] =	sst s3  }
0x7: {  	s6 =	sor.u32 s5, s6;
	_ =	strace $0x80000047;
	s5 =	ssub.s32 $0x2, s5  }
0x8: {  	s8 =	smul.u32 $0x680, s6;
	s9 =	sshll.u32 s6, $0xA;
	s10 =	sshrl.u32 s5, $0x1  }
0x9: {  	s11 =	sshll.u32 s6, $0x6;
	s9 =	sadd.s32 s9, s4;
	s10 =	ssub.s32 s5, s10  }
0xa: {  	s7 =	sadd.s32 s7, s11;
	s11 =	simm.s32 $0x3;
	s8 =	sadd.s32 s8, s4  }
0xb: {  	s4 =	sadd.s32 $0x15800, s4;
	s5 =	sadd.s32 $0xD800, s9;
	s9 =	simm.s32 $0x6800  }
0xc: {  	s6 =	sadd.s32 $0x800, s8;
	s8 =	smax.u32 s10, $0x1;
	s10 =	simm.s32 $0x8800  }
.LBB2_1:
0xd: {  	[tilespmem:s9], [sflag:$0x2] =	stream.linear.gather [hbm4b:s5+s3], $0x2000, $0x38;
	[tilespmem:$0x8A80] =	vst v63  }
0xe: {  	_ = 	snop  }
0xf: {  	[tilespmem:s10], [sflag:$0x2] =	stream.linear.gather [hbm4b:s4+s3], $0x80, $0x38;
	[tilespmem:$0x8A80] =	vst v63  }
0x10: {  	_ = 	snop  }
0x11: {  	[tilespmem:s3], [sflag:$0x3] =	stream.linear.gather [hbm4b:s6+s3], $0x3400, $0x38;
	[tilespmem:$0x8A80] =	vst v63  }
0x12: {  	_ =	swait.ge [sflag:s11], $0x3400  }
0x13: {  	[sflag:s11] =	ssyncset.done $0x0  }
0x14: {  	[sflag:s11] =	ssyncadd.s32 $0xFFFFCC00  }
0x15: {  	v0 =	vld [tilespmem:s3+$0x0]  }
0x16: {  	v1 =	vld [tilespmem:s3+$0x10]  }
0x17: {  	s17 =	simm.s32 $0x0;
	v2 =	vld [tilespmem:s3+$0x20]  }
0x18: {  	s17 =	smul.u32 $0xF4240, s17;
	v3 =	vld [tilespmem:s3+$0x30]  }
0x19: {  	v4 =	vld [tilespmem:s3+$0x40]  }
0x1a: {  	v5 =	vld [tilespmem:s3+$0x50];
	v0 =	vadd.s32 s17, v0  }
0x1b: {  	[tilespmem:s3+$0x0] =	vst v0;
	v0 =	vadd.s32 s17, v1;
	v1 =	vld [tilespmem:s3+$0x60]  }
0x1c: {  	[tilespmem:s3+$0x10] =	vst v0;
	v0 =	vadd.s32 s17, v2;
	v2 =	vld [tilespmem:s3+$0x70]  }
0x1d: {  	[tilespmem:s3+$0x20] =	vst v0;
	v0 =	vadd.s32 s17, v3  }
0x1e: {  	[tilespmem:s3+$0x30] =	vst v0;
	v0 =	vadd.s32 s17, v4  }
0x1f: {  	[tilespmem:s3+$0x40] =	vst v0;
	v0 =	vadd.s32 s17, v5  }
0x20: {  	[tilespmem:s3+$0x50] =	vst v0;
	v0 =	vadd.s32 s17, v1  }
0x21: {  	[tilespmem:s3+$0x60] =	vst v0;
	v0 =	vadd.s32 s17, v2  }
0x22: {  	s18 =	simm.s32 $0x80;
	s17 =	simm.s32 $0x3400;
	[tilespmem:s3+$0x70] =	vst v0  }
0x23: {  	[tilespmem:s17], [sflag:$0x1] =	stream.indirect.gather [hbm4b:s2+s12], $0x1, s3, s12, $0xb8;
	[tilespmem:$0x8A80] =	vst v63  }
0x24: {  	v1 =	vld [tilespmem:s18+$0x0]  }
0x25: {  	v3 =	vld [tilespmem:s18+$0x10]  }
0x26: {  	s19 =	simm.s32 $0x0;
	v4 =	vld [tilespmem:s18+$0x20]  }
0x27: {  	s20 =	smul.u32 $0xF4240, s19;
	v2 =	vld [tilespmem:s18+$0x30]  }
0x28: {  	v0 =	vld [tilespmem:s18+$0x40]  }
0x29: {  	v5 =	vadd.s32 s20, v1;
	v1 =	vld [tilespmem:s18+$0x50]  }
0x2a: {  	[tilespmem:s18+$0x0] =	vst v5;
	v5 =	vadd.s32 s20, v3;
	v3 =	vld [tilespmem:s18+$0x60]  }
0x2b: {  	s21 =	simm.s32 $0x2;
	s19 =	simm.s32 $0x80;
	[tilespmem:s18+$0x10] =	vst v5;
	v5 =	vadd.s32 s20, v4;
	v4 =	vld [tilespmem:s18+$0x70]  }
.LBB2_2:
0x2c: {  	p0 =	sne.s32 s21, $0x67;
	[tilespmem:s18+$0x20] =	vst v5;
	v2 =	vadd.s32 s20, v2  }
0x2d: {  	[tilespmem:s18+$0x30] =	vst v2;
	v0 =	vadd.s32 s20, v0  }
0x2e: {  	[tilespmem:s18+$0x40] =	vst v0;
	v0 =	vadd.s32 s20, v1  }
0x2f: {  	[tilespmem:s18+$0x50] =	vst v0;
	v0 =	vadd.s32 s20, v3  }
0x30: {  	s17 =	sadd.s32 $0x80, s17;
	s18 =	sadd.s32 $0x80, s18;
	[tilespmem:s19+$0x60] =	vst v0;
	v0 =	vadd.s32 s20, v4  }
0x31: {  	[tilespmem:s19+$0x70] =	vst v0;
	[tilespmem:s17], [sflag:$0x1] =	stream.indirect.gather [hbm4b:s2+s12], $0x1, s19, s12, $0xb8  }
0x32: {  	s19 =	smov.u32 s18;
	v1 =	vld [tilespmem:s18+$0x0]  }
0x33: {  	s20 =	sshrl.u32 s21, $0x2;
	v3 =	vld [tilespmem:s18+$0x10]  }
0x34: {  	s20 =	smul.u32 $0xF4240, s20;
	v4 =	vld [tilespmem:s18+$0x20]  }
.Ltmp0:
0x35: {  	v2 =	vld [tilespmem:s18+$0x30];
	(pc) =	sbr.rel @p0 .LBB2_2-.Ltmp0, $4  }
0x36: {  	v0 =	vld [tilespmem:s18+$0x40]  }
0x37: {  	v5 =	vadd.s32 s20, v1;
	v1 =	vld [tilespmem:s18+$0x50]  }
0x38: {  	[tilespmem:s18+$0x0] =	vst v5;
	v5 =	vadd.s32 s20, v3;
	v3 =	vld [tilespmem:s18+$0x60]  }
0x39: {  	s21 =	sadd.s32 $0x1, s21;
	[tilespmem:s18+$0x10] =	vst v5;
	v5 =	vadd.s32 s20, v4;
	v4 =	vld [tilespmem:s18+$0x70]  }
0x3a: {  	[tilespmem:s18+$0x20] =	vst v5;
	v2 =	vadd.s32 s20, v2  }
0x3b: {  	[tilespmem:s18+$0x30] =	vst v2;
	v0 =	vadd.s32 s20, v0  }
0x3c: {  	[tilespmem:s18+$0x40] =	vst v0;
	v0 =	vadd.s32 s20, v1  }
0x3d: {  	[tilespmem:s18+$0x50] =	vst v0;
	v0 =	vadd.s32 s20, v3  }
0x3e: {  	[tilespmem:s19+$0x60] =	vst v0;
	v0 =	vadd.s32 s20, v4  }
0x3f: {  	s17 =	sadd.s32 $0x80, s17;
	[tilespmem:s19+$0x70] =	vst v0  }
0x40: {  	[tilespmem:s17], [sflag:$0x1] =	stream.indirect.gather [hbm4b:s2+s12], $0x1, s19, s12, $0xb8;
	[tilespmem:$0x8A80] =	vst v63  }
0x41: {  	_ =	swait.ge [sflag:s13], $0x2000  }
0x42: {  	[sflag:s13] =	ssyncset.done $0x0  }
0x43: {  	[sflag:s13] =	ssyncadd.s32 $0xFFFFE000  }
0x44: {  	_ =	swait.ge [sflag:s13], $0x80  }
0x45: {  	[sflag:s13] =	ssyncset.done $0x0  }
0x46: {  	s29 =	simm.s32 $0x0;
	[sflag:s13] =	ssyncadd.s32 $0xFFFFFF80  }
0x47: {  	s30 =	sand.u32 $0x70, s29;
	s17 =	sand.u32 $0xC00, s29;
	v0 =	vld [tilespmem:$0x8810]  }
0x48: {  	s17 =	sor.u32 s30, s17;
	v14 =	vld [tilespmem:$0x8820]  }
0x49: {  	v4 =	vld [tilespmem:s17+$0x6800];
	_ =	sdelay $0x1  }
0x4a: {  	v5 =	vld [tilespmem:s17+$0x6880]  }
0x4b: {  	v2 =	vbroadcast v0, $0xA  }
0x4c: {  	v6 =	vld [tilespmem:s17+$0x6900];
	v1 =	vbroadcast v14, $0x7  }
0x4d: {  	v3 =	vbroadcast v0, $0xB;
	v7 =	vmul.f32 v4, v2  }
0x4e: {  	v8 =	vld [tilespmem:s17+$0x6980]  }
0x4f: {  	v4 =	vbroadcast v0, $0xC;
	v9 =	vmul.f32 v5, v3;
	v7 =	vadd.f32 v7, v1  }
0x50: {  	v10 =	vld [tilespmem:s17+$0x6A00]  }
0x51: {  	v5 =	vbroadcast v0, $0xD;
	v7 =	vadd.f32 v9, v7;
	v9 =	vmul.f32 v6, v4  }
0x52: {  	v11 =	vld [tilespmem:s17+$0x6A80]  }
0x53: {  	v8 =	vmul.f32 v8, v5;
	v6 =	vbroadcast v0, $0xE;
	v9 =	vadd.f32 v9, v7  }
0x54: {  	v12 =	vld [tilespmem:s17+$0x6B00]  }
0x55: {  	v7 =	vbroadcast v0, $0xF;
	v10 =	vmul.f32 v10, v6;
	v9 =	vadd.f32 v8, v9  }
0x56: {  	v13 =	vld [tilespmem:s17+$0x6B80]  }
0x57: {  	v8 =	vbroadcast v14, $0x0;
	v11 =	vmul.f32 v11, v7;
	v10 =	vadd.f32 v10, v9  }
0x58: {  	v15 =	vld [tilespmem:s17+$0x7800]  }
0x59: {  	v9 =	vbroadcast v14, $0x1;
	v12 =	vmul.f32 v12, v8;
	v11 =	vadd.f32 v11, v10  }
0x5a: {  	v16 =	vld [tilespmem:s17+$0x7880]  }
0x5b: {  	v10 =	vbroadcast v14, $0x2;
	v13 =	vmul.f32 v13, v9;
	v12 =	vadd.f32 v12, v11  }
0x5c: {  	v17 =	vld [tilespmem:s17+$0x7900]  }
0x5d: {  	v11 =	vbroadcast v14, $0x3;
	v15 =	vmul.f32 v15, v10;
	v13 =	vadd.f32 v13, v12  }
0x5e: {  	v18 =	vld [tilespmem:s17+$0x7980]  }
0x5f: {  	v12 =	vbroadcast v14, $0x4;
	v16 =	vmul.f32 v16, v11;
	v15 =	vadd.f32 v15, v13  }
0x60: {  	v19 =	vld [tilespmem:s17+$0x7A00]  }
0x61: {  	v13 =	vbroadcast v14, $0x5;
	v15 =	vadd.f32 v16, v15;
	v16 =	vmul.f32 v17, v12;
	_ =	sdelay $0x1  }
0x62: {  	v14 =	vbroadcast v14, $0x6;
	v15 =	vadd.f32 v16, v15;
	v16 =	vmul.f32 v18, v13;
	_ =	sdelay $0x1  }
0x63: {  	v17 =	vmul.f32 v19, v14;
	v15 =	vadd.f32 v16, v15  }
0x64: {  	s31 =	simm.s32 $0x10  }
0x65: {  	s18 =	simm.s32 $0x80;
	s20 =	sand.u32 $0x70, s31;
	v15 =	vadd.f32 v17, v15  }
0x66: {  	s21 =	sand.u32 $0xC00, s18;
	s19 =	simm.s32 $0x20;
	s17 =	simm.s32 $0x8880;
	v16 =	vld [tilespmem:$0x8800]  }
.LBB2_4:
0x67: {  	p0 =	sne.s32 s19, $0x1F0;
	s20 =	sor.u32 s20, s21;
	[tilespmem:s17+$0x0] =	vst v15  }
0x68: {  	v15 =	vld [tilespmem:s20+$0x6800];
	_ =	sdelay $0x1  }
0x69: {  	v17 =	vld [tilespmem:s20+$0x6880];
	_ =	sdelay $0x1  }
0x6a: {  	v18 =	vld [tilespmem:s20+$0x6900]  }
0x6b: {  	v15 =	vmul.f32 v15, v2  }
0x6c: {  	v19 =	vld [tilespmem:s20+$0x6980]  }
0x6d: {  	v15 =	vadd.f32 v15, v1;
	v17 =	vmul.f32 v17, v3  }
0x6e: {  	v20 =	vld [tilespmem:s20+$0x6A00]  }
0x6f: {  	v15 =	vadd.f32 v17, v15;
	v17 =	vmul.f32 v18, v4  }
0x70: {  	v18 =	vld [tilespmem:s20+$0x6A80]  }
0x71: {  	v15 =	vadd.f32 v17, v15;
	v17 =	vmul.f32 v19, v5  }
0x72: {  	v19 =	vld [tilespmem:s20+$0x6B00]  }
0x73: {  	v15 =	vadd.f32 v17, v15;
	v17 =	vmul.f32 v20, v6  }
0x74: {  	v20 =	vld [tilespmem:s20+$0x6B80]  }
0x75: {  	v15 =	vadd.f32 v17, v15;
	v17 =	vmul.f32 v18, v7  }
0x76: {  	v18 =	vld [tilespmem:s20+$0x7800]  }
0x77: {  	v15 =	vadd.f32 v17, v15;
	v17 =	vmul.f32 v19, v8  }
0x78: {  	v19 =	vld [tilespmem:s20+$0x7880]  }
0x79: {  	v15 =	vadd.f32 v17, v15;
	v17 =	vmul.f32 v20, v9  }
0x7a: {  	v20 =	vld [tilespmem:s20+$0x7900]  }
0x7b: {  	v15 =	vadd.f32 v17, v15;
	v17 =	vmul.f32 v18, v10  }
0x7c: {  	v18 =	vld [tilespmem:s20+$0x7980]  }
0x7d: {  	v15 =	vadd.f32 v17, v15;
	v17 =	vmul.f32 v19, v11  }
0x7e: {  	v19 =	vld [tilespmem:s20+$0x7A00]  }
0x7f: {  	v15 =	vadd.f32 v17, v15;
	v17 =	vmul.f32 v20, v12;
	_ =	sdelay $0x1  }
0x80: {  	v15 =	vadd.f32 v17, v15;
	v17 =	vmul.f32 v18, v13  }
.Ltmp1:
0x81: {  	(pc) =	sbr.rel @p0 .LBB2_4-.Ltmp1, $3  }
0x82: {  	v15 =	vadd.f32 v17, v15;
	v17 =	vmul.f32 v19, v14;
	_ =	sdelay $0x1  }
0x83: {  	s18 =	sadd.s32 $0x80, s18;
	s17 =	sadd.s32 $0x10, s17;
	v15 =	vadd.f32 v17, v15  }
0x84: {  	s21 =	sand.u32 $0xC00, s18;
	s20 =	sand.u32 $0x70, s19;
	s19 =	sadd.s32 $0x10, s19  }
0x85: {  	s18 =	sor.u32 s20, s21;
	[tilespmem:s17+$0x0] =	vst v15  }
0x86: {  	v15 =	vld [tilespmem:s18+$0x6800];
	_ =	sdelay $0x1  }
0x87: {  	v17 =	vld [tilespmem:s18+$0x6880];
	_ =	sdelay $0x1  }
0x88: {  	v18 =	vld [tilespmem:s18+$0x6900]  }
0x89: {  	v2 =	vmul.f32 v15, v2  }
0x8a: {  	v15 =	vld [tilespmem:s18+$0x6980]  }
0x8b: {  	v1 =	vadd.f32 v2, v1;
	v2 =	vmul.f32 v17, v3  }
0x8c: {  	v3 =	vld [tilespmem:s18+$0x6A00]  }
0x8d: {  	v1 =	vadd.f32 v2, v1;
	v2 =	vmul.f32 v18, v4  }
0x8e: {  	v4 =	vld [tilespmem:s18+$0x6A80]  }
0x8f: {  	v1 =	vadd.f32 v2, v1;
	v2 =	vmul.f32 v15, v5  }
0x90: {  	v5 =	vld [tilespmem:s18+$0x6B00]  }
0x91: {  	v1 =	vadd.f32 v2, v1;
	v2 =	vmul.f32 v3, v6  }
0x92: {  	v3 =	vld [tilespmem:s18+$0x6B80]  }
0x93: {  	v1 =	vadd.f32 v2, v1;
	v2 =	vmul.f32 v4, v7  }
0x94: {  	v4 =	vld [tilespmem:s18+$0x7800]  }
0x95: {  	v1 =	vadd.f32 v2, v1;
	v2 =	vmul.f32 v5, v8  }
0x96: {  	v5 =	vld [tilespmem:s18+$0x7880]  }
0x97: {  	v1 =	vadd.f32 v2, v1;
	v2 =	vmul.f32 v3, v9  }
0x98: {  	v3 =	vld [tilespmem:s18+$0x7900]  }
0x99: {  	v1 =	vadd.f32 v2, v1;
	v2 =	vmul.f32 v4, v10  }
0x9a: {  	v4 =	vld [tilespmem:s18+$0x7980]  }
0x9b: {  	v1 =	vadd.f32 v2, v1;
	v2 =	vmul.f32 v5, v11  }
0x9c: {  	v5 =	vld [tilespmem:s18+$0x7A00]  }
0x9d: {  	v1 =	vadd.f32 v2, v1;
	v2 =	vmul.f32 v3, v12;
	_ =	sdelay $0x1  }
0x9e: {  	v1 =	vadd.f32 v2, v1;
	v2 =	vmul.f32 v4, v13;
	_ =	sdelay $0x1  }
0x9f: {  	v1 =	vadd.f32 v2, v1;
	v2 =	vmul.f32 v5, v14;
	_ =	sdelay $0x1  }
0xa0: {  	v1 =	vadd.f32 v2, v1  }
0xa1: {  	s29 =	sadd.s32 $0x10, s17  }
0xa2: {  	[tilespmem:s29+$0x0] =	vst v1  }
0xa3: {  	s30 =	simm.s32 $0x0;
	s31 =	simm.s32 $0x0;
	_ =	swait.ge [sflag:s14], $0x3400  }
0xa4: {  	s17 =	sand.u32 $0x70, s30;
	s18 =	sand.u32 $0x180, s31;
	[sflag:s14] =	ssyncset.done $0x0  }
0xa5: {  	s18 =	sor.u32 s17, s18;
	[sflag:s14] =	ssyncadd.s32 $0xFFFFCC00  }
0xa6: {  	s17 =	simm.s32 $0x0;
	v2 =	vld [tilespmem:s18+$0x3400]  }
0xa7: {  	v4 =	vld [tilespmem:s17+$0x8880]  }
0xa8: {  	v5 =	vld [tilespmem:s18+$0x3600]  }
0xa9: {  	v3 =	vbroadcast v16, $0x0  }
0xaa: {  	v6 =	vld [tilespmem:s18+$0x3800]  }
0xab: {  	v1 =	vbroadcast v16, $0x1;
	v7 =	vmul.f32 v2, v3  }
0xac: {  	v8 =	vld [tilespmem:s18+$0x3A00]  }
0xad: {  	v2 =	vbroadcast v16, $0x2;
	v5 =	vmul.f32 v5, v1;
	v7 =	vadd.f32 v7, v4  }
0xae: {  	v9 =	vld [tilespmem:s18+$0x3C00]  }
0xaf: {  	v4 =	vbroadcast v16, $0x3;
	v6 =	vmul.f32 v6, v2;
	v7 =	vadd.f32 v5, v7  }
0xb0: {  	v10 =	vld [tilespmem:s18+$0x3E00]  }
0xb1: {  	v5 =	vbroadcast v16, $0x4;
	v8 =	vmul.f32 v8, v4;
	v7 =	vadd.f32 v6, v7  }
0xb2: {  	v11 =	vld [tilespmem:s18+$0x4000]  }
0xb3: {  	v6 =	vbroadcast v16, $0x5;
	v9 =	vmul.f32 v9, v5;
	v8 =	vadd.f32 v8, v7  }
0xb4: {  	v12 =	vld [tilespmem:s18+$0x4200]  }
0xb5: {  	v7 =	vbroadcast v16, $0x6;
	v10 =	vmul.f32 v10, v6;
	v9 =	vadd.f32 v9, v8  }
0xb6: {  	v13 =	vld [tilespmem:s18+$0x4400]  }
0xb7: {  	v8 =	vbroadcast v16, $0x7;
	v11 =	vmul.f32 v11, v7;
	v10 =	vadd.f32 v10, v9  }
0xb8: {  	v14 =	vld [tilespmem:s18+$0x4600]  }
0xb9: {  	v9 =	vbroadcast v16, $0x8;
	v12 =	vmul.f32 v12, v8;
	v11 =	vadd.f32 v11, v10  }
0xba: {  	v15 =	vld [tilespmem:s18+$0x4800]  }
0xbb: {  	v10 =	vbroadcast v16, $0x9;
	v13 =	vmul.f32 v13, v9;
	v12 =	vadd.f32 v12, v11  }
0xbc: {  	v17 =	vld [tilespmem:s18+$0x4A00]  }
0xbd: {  	v11 =	vbroadcast v16, $0xA;
	v14 =	vmul.f32 v14, v10;
	v13 =	vadd.f32 v13, v12  }
0xbe: {  	v18 =	vld [tilespmem:s18+$0x4C00]  }
0xbf: {  	v12 =	vbroadcast v16, $0xB;
	v15 =	vmul.f32 v15, v11;
	v14 =	vadd.f32 v14, v13  }
0xc0: {  	v19 =	vld [tilespmem:s18+$0x4E00]  }
0xc1: {  	v13 =	vbroadcast v16, $0xC;
	v17 =	vmul.f32 v17, v12;
	v15 =	vadd.f32 v15, v14  }
0xc2: {  	v20 =	vld [tilespmem:s18+$0x5000]  }
0xc3: {  	v14 =	vbroadcast v16, $0xD;
	v18 =	vmul.f32 v18, v13;
	v17 =	vadd.f32 v17, v15  }
0xc4: {  	v21 =	vld [tilespmem:s18+$0x5200]  }
0xc5: {  	v15 =	vbroadcast v16, $0xE;
	v17 =	vadd.f32 v18, v17;
	v18 =	vmul.f32 v19, v14  }
0xc6: {  	v19 =	vld [tilespmem:s18+$0x5400]  }
0xc7: {  	v16 =	vbroadcast v16, $0xF;
	v20 =	vmul.f32 v20, v15;
	v18 =	vadd.f32 v18, v17  }
0xc8: {  	v22 =	vld [tilespmem:s18+$0x5600]  }
0xc9: {  	v21 =	vmul.f32 v21, v16;
	v17 =	vbroadcast v0, $0x0;
	v20 =	vadd.f32 v20, v18  }
0xca: {  	v23 =	vld [tilespmem:s18+$0x5800]  }
0xcb: {  	v18 =	vbroadcast v0, $0x1;
	v20 =	vadd.f32 v21, v20;
	v21 =	vmul.f32 v19, v17  }
0xcc: {  	v24 =	vld [tilespmem:s18+$0x5A00]  }
0xcd: {  	v19 =	vbroadcast v0, $0x2;
	v22 =	vmul.f32 v22, v18;
	v21 =	vadd.f32 v21, v20  }
0xce: {  	v25 =	vld [tilespmem:s18+$0x5C00]  }
0xcf: {  	v20 =	vbroadcast v0, $0x3;
	v23 =	vmul.f32 v23, v19;
	v22 =	vadd.f32 v22, v21  }
0xd0: {  	v26 =	vld [tilespmem:s18+$0x5E00]  }
0xd1: {  	v21 =	vbroadcast v0, $0x4;
	v24 =	vmul.f32 v24, v20;
	v23 =	vadd.f32 v23, v22  }
0xd2: {  	v27 =	vld [tilespmem:s18+$0x6000]  }
0xd3: {  	v22 =	vbroadcast v0, $0x5;
	v25 =	vmul.f32 v25, v21;
	v24 =	vadd.f32 v24, v23  }
0xd4: {  	v28 =	vld [tilespmem:s18+$0x6200]  }
0xd5: {  	v23 =	vbroadcast v0, $0x6;
	v26 =	vmul.f32 v26, v22;
	v25 =	vadd.f32 v25, v24  }
0xd6: {  	v29 =	vld [tilespmem:s18+$0x6400]  }
0xd7: {  	v24 =	vbroadcast v0, $0x7;
	v27 =	vmul.f32 v27, v23;
	v26 =	vadd.f32 v26, v25  }
0xd8: {  	v30 =	vld [tilespmem:s18+$0x6600]  }
0xd9: {  	v25 =	vbroadcast v0, $0x8;
	v26 =	vadd.f32 v27, v26;
	v27 =	vmul.f32 v28, v24;
	_ =	sdelay $0x1  }
0xda: {  	v0 =	vbroadcast v0, $0x9;
	v26 =	vadd.f32 v27, v26;
	v27 =	vmul.f32 v29, v25;
	_ =	sdelay $0x1  }
0xdb: {  	v26 =	vadd.f32 v27, v26;
	v27 =	vmul.f32 v30, v0  }
0xdc: {  	s20 =	simm.s32 $0x10  }
0xdd: {  	s21 =	simm.s32 $0x10;
	s19 =	simm.s32 $0x20;
	s18 =	simm.s32 $0x40;
	v26 =	vadd.f32 v27, v26  }
.LBB2_6:
0xde: {  	p0 =	sne.s32 s19, $0x1F0;
	s20 =	sand.u32 $0x70, s20;
	s21 =	sand.u32 $0x180, s21  }
0xdf: {  	s21 =	sor.u32 s20, s21;
	[tilespmem:s17+$0x8880] =	vst v26;
	s20 =	smov.u32 s19  }
0xe0: {  	s17 =	sshra.s32 s18, $0x2;
	v26 =	vld [tilespmem:s21+$0x3400]  }
0xe1: {  	v27 =	vld [tilespmem:s17+$0x8880]  }
0xe2: {  	v28 =	vld [tilespmem:s21+$0x3600];
	_ =	sdelay $0x1  }
0xe3: {  	v29 =	vld [tilespmem:s21+$0x3800]  }
0xe4: {  	v26 =	vmul.f32 v26, v3  }
0xe5: {  	v30 =	vld [tilespmem:s21+$0x3A00]  }
0xe6: {  	v26 =	vadd.f32 v26, v27;
	v27 =	vmul.f32 v28, v1  }
0xe7: {  	v28 =	vld [tilespmem:s21+$0x3C00]  }
0xe8: {  	v26 =	vadd.f32 v27, v26;
	v27 =	vmul.f32 v29, v2  }
0xe9: {  	v29 =	vld [tilespmem:s21+$0x3E00]  }
0xea: {  	v26 =	vadd.f32 v27, v26;
	v27 =	vmul.f32 v30, v4  }
0xeb: {  	v30 =	vld [tilespmem:s21+$0x4000]  }
0xec: {  	v26 =	vadd.f32 v27, v26;
	v27 =	vmul.f32 v28, v5  }
0xed: {  	v28 =	vld [tilespmem:s21+$0x4200]  }
0xee: {  	v26 =	vadd.f32 v27, v26;
	v27 =	vmul.f32 v29, v6  }
0xef: {  	v29 =	vld [tilespmem:s21+$0x4400]  }
0xf0: {  	v26 =	vadd.f32 v27, v26;
	v27 =	vmul.f32 v30, v7  }
0xf1: {  	v30 =	vld [tilespmem:s21+$0x4600]  }
0xf2: {  	v26 =	vadd.f32 v27, v26;
	v27 =	vmul.f32 v28, v8  }
0xf3: {  	v28 =	vld [tilespmem:s21+$0x4800]  }
0xf4: {  	v26 =	vadd.f32 v27, v26;
	v27 =	vmul.f32 v29, v9  }
0xf5: {  	v29 =	vld [tilespmem:s21+$0x4A00]  }
0xf6: {  	v26 =	vadd.f32 v27, v26;
	v27 =	vmul.f32 v30, v10  }
0xf7: {  	v30 =	vld [tilespmem:s21+$0x4C00]  }
0xf8: {  	v26 =	vadd.f32 v27, v26;
	v27 =	vmul.f32 v28, v11  }
0xf9: {  	v28 =	vld [tilespmem:s21+$0x4E00]  }
0xfa: {  	v26 =	vadd.f32 v27, v26;
	v27 =	vmul.f32 v29, v12  }
0xfb: {  	v29 =	vld [tilespmem:s21+$0x5000]  }
0xfc: {  	v26 =	vadd.f32 v27, v26;
	v27 =	vmul.f32 v30, v13  }
0xfd: {  	v30 =	vld [tilespmem:s21+$0x5200]  }
0xfe: {  	v26 =	vadd.f32 v27, v26;
	v27 =	vmul.f32 v28, v14  }
0xff: {  	v28 =	vld [tilespmem:s21+$0x5400]  }
0x100: {  	v26 =	vadd.f32 v27, v26;
	v27 =	vmul.f32 v29, v15  }
0x101: {  	v29 =	vld [tilespmem:s21+$0x5600]  }
0x102: {  	v26 =	vadd.f32 v27, v26;
	v27 =	vmul.f32 v30, v16  }
0x103: {  	v30 =	vld [tilespmem:s21+$0x5800]  }
0x104: {  	v26 =	vadd.f32 v27, v26;
	v27 =	vmul.f32 v28, v17  }
0x105: {  	v28 =	vld [tilespmem:s21+$0x5A00]  }
0x106: {  	v26 =	vadd.f32 v27, v26;
	v27 =	vmul.f32 v29, v18  }
0x107: {  	v29 =	vld [tilespmem:s21+$0x5C00]  }
0x108: {  	v26 =	vadd.f32 v27, v26;
	v27 =	vmul.f32 v30, v19  }
0x109: {  	v30 =	vld [tilespmem:s21+$0x5E00]  }
0x10a: {  	v26 =	vadd.f32 v27, v26;
	v27 =	vmul.f32 v28, v20  }
0x10b: {  	v28 =	vld [tilespmem:s21+$0x6000]  }
0x10c: {  	v26 =	vadd.f32 v27, v26;
	v27 =	vmul.f32 v29, v21  }
0x10d: {  	v29 =	vld [tilespmem:s21+$0x6200]  }
0x10e: {  	v26 =	vadd.f32 v27, v26;
	v27 =	vmul.f32 v30, v22  }
0x10f: {  	v30 =	vld [tilespmem:s21+$0x6400]  }
0x110: {  	v26 =	vadd.f32 v27, v26;
	v27 =	vmul.f32 v28, v23  }
0x111: {  	v28 =	vld [tilespmem:s21+$0x6600]  }
0x112: {  	v26 =	vadd.f32 v27, v26;
	v27 =	vmul.f32 v29, v24;
	_ =	sdelay $0x1  }
.Ltmp2:
0x113: {  	v26 =	vadd.f32 v27, v26;
	v27 =	vmul.f32 v30, v25;
	(pc) =	sbr.rel @p0 .LBB2_6-.Ltmp2, $4  }
0x114: {  	_ = 	snop  }
0x115: {  	v26 =	vadd.f32 v27, v26;
	v27 =	vmul.f32 v28, v0  }
0x116: {  	s18 =	sadd.s32 $0x40, s18  }
0x117: {  	s19 =	sadd.s32 $0x10, s19;
	s21 =	sshrl.u32 s18, $0x2;
	v26 =	vadd.f32 v27, v26  }
0x118: {  	s19 =	sand.u32 $0x70, s20;
	s30 =	sand.u32 $0x180, s21  }
0x119: {  	s19 =	sor.u32 s19, s30;
	[tilespmem:s17+$0x8880] =	vst v26  }
0x11a: {  	s31 =	sshra.s32 s18, $0x2;
	v26 =	vld [tilespmem:s19+$0x3400]  }
0x11b: {  	v27 =	vld [tilespmem:s31+$0x8880]  }
0x11c: {  	v28 =	vld [tilespmem:s19+$0x3600];
	_ =	sdelay $0x1  }
0x11d: {  	v29 =	vld [tilespmem:s19+$0x3800]  }
0x11e: {  	v3 =	vmul.f32 v26, v3  }
0x11f: {  	v57 =	vld [tilespmem:s19+$0x3A00]  }
0x120: {  	v1 =	vmul.f32 v28, v1;
	v3 =	vadd.f32 v3, v27  }
0x121: {  	v58 =	vld [tilespmem:s19+$0x3C00]  }
0x122: {  	v2 =	vmul.f32 v29, v2;
	v1 =	vadd.f32 v1, v3  }
0x123: {  	v59 =	vld [tilespmem:s19+$0x3E00]  }
0x124: {  	v60 =	vmul.f32 v57, v4;
	v1 =	vadd.f32 v2, v1  }
0x125: {  	v61 =	vld [tilespmem:s19+$0x4000]  }
0x126: {  	v62 =	vmul.f32 v58, v5;
	v1 =	vadd.f32 v60, v1  }
0x127: {  	v63 =	vld [tilespmem:s19+$0x4200]  }
0x128: {  	v26 =	vmul.f32 v59, v6;
	v1 =	vadd.f32 v62, v1  }
0x129: {  	v27 =	vld [tilespmem:s19+$0x4400]  }
0x12a: {  	v28 =	vmul.f32 v61, v7;
	v1 =	vadd.f32 v26, v1  }
0x12b: {  	v29 =	vld [tilespmem:s19+$0x4600]  }
0x12c: {  	v30 =	vmul.f32 v63, v8;
	v1 =	vadd.f32 v28, v1  }
0x12d: {  	v31 =	vld [tilespmem:s19+$0x4800]  }
0x12e: {  	v32 =	vmul.f32 v27, v9;
	v1 =	vadd.f32 v30, v1  }
0x12f: {  	v33 =	vld [tilespmem:s19+$0x4A00]  }
0x130: {  	v34 =	vmul.f32 v29, v10;
	v1 =	vadd.f32 v32, v1  }
0x131: {  	v35 =	vld [tilespmem:s19+$0x4C00]  }
0x132: {  	v36 =	vmul.f32 v31, v11;
	v1 =	vadd.f32 v34, v1  }
0x133: {  	v37 =	vld [tilespmem:s19+$0x4E00]  }
0x134: {  	v38 =	vmul.f32 v33, v12;
	v1 =	vadd.f32 v36, v1  }
0x135: {  	v39 =	vld [tilespmem:s19+$0x5000]  }
0x136: {  	v40 =	vmul.f32 v35, v13;
	v1 =	vadd.f32 v38, v1  }
0x137: {  	v41 =	vld [tilespmem:s19+$0x5200]  }
0x138: {  	v42 =	vmul.f32 v37, v14;
	v1 =	vadd.f32 v40, v1  }
0x139: {  	v43 =	vld [tilespmem:s19+$0x5400]  }
0x13a: {  	v44 =	vmul.f32 v39, v15;
	v1 =	vadd.f32 v42, v1  }
0x13b: {  	v45 =	vld [tilespmem:s19+$0x5600]  }
0x13c: {  	v46 =	vmul.f32 v41, v16;
	v1 =	vadd.f32 v44, v1  }
0x13d: {  	v47 =	vld [tilespmem:s19+$0x5800]  }
0x13e: {  	v48 =	vmul.f32 v43, v17;
	v1 =	vadd.f32 v46, v1  }
0x13f: {  	v49 =	vld [tilespmem:s19+$0x5A00]  }
0x140: {  	v50 =	vmul.f32 v45, v18;
	v1 =	vadd.f32 v48, v1  }
0x141: {  	v51 =	vld [tilespmem:s19+$0x5C00]  }
0x142: {  	v52 =	vmul.f32 v47, v19;
	v1 =	vadd.f32 v50, v1  }
0x143: {  	v53 =	vld [tilespmem:s19+$0x5E00]  }
0x144: {  	v54 =	vmul.f32 v49, v20;
	v1 =	vadd.f32 v52, v1  }
0x145: {  	v55 =	vld [tilespmem:s19+$0x6000]  }
0x146: {  	v56 =	vmul.f32 v51, v21;
	v1 =	vadd.f32 v54, v1  }
0x147: {  	v57 =	vld [tilespmem:s19+$0x6200]  }
0x148: {  	v58 =	vmul.f32 v53, v22;
	v1 =	vadd.f32 v56, v1  }
0x149: {  	v59 =	vld [tilespmem:s19+$0x6400]  }
0x14a: {  	v60 =	vmul.f32 v55, v23;
	v1 =	vadd.f32 v58, v1  }
0x14b: {  	v61 =	vld [tilespmem:s19+$0x6600]  }
0x14c: {  	v62 =	vmul.f32 v57, v24;
	v1 =	vadd.f32 v60, v1;
	_ =	sdelay $0x1  }
0x14d: {  	v63 =	vmul.f32 v59, v25;
	v1 =	vadd.f32 v62, v1;
	_ =	sdelay $0x1  }
0x14e: {  	v0 =	vmul.f32 v61, v0;
	v1 =	vadd.f32 v63, v1;
	_ =	sdelay $0x1  }
0x14f: {  	s16 =	sadd.s32 $0x1, s16;
	v0 =	vadd.f32 v0, v1  }
0x150: {  	p0 =	sne.s32 s16, s8  }
.Ltmp3:
0x151: {  	[tilespmem:s31+$0x8880] =	vst v0;
	(pc) =	sbr.rel @p0 .LBB2_1-.Ltmp3, $4  }
0x152: {  	[hbm4b:s7+s3] =	stream.linear.scatter [tilespmem:s15], [sflag:$0x3], $0x200, $0x38;
	[tilespmem:$0x8A80] =	vst v63  }
0x153: {  	_ =	swait.ge [sflag:s11], $0x200  }
0x154: {  	[sflag:s11] =	ssyncset.done $0x0  }
0x155: {  	[sflag:s11] =	ssyncadd.s32 $0xFFFFFE00  }
0x156: {  	_ =	sfence.sel $0x180000  }
0x157: {  	[bflag:$0x0] =	sbarrier.arrive $0xFFFF  }
0x158: {  	p0 =	sne.s32 s0, $0x0;
	_ =	strace $0x90000047  }
0x159: {  	s0 =	sadd.s32 @!p0 $0x100000, s1;
	[bflag:$0x2] =	sbarrier.arrive $0xFFFF  }
0x15a: {  	[sflag:s0] =	ssyncadd.tile.s32 @!p0 $0x1;
	_ =	shalt  }
.Lfunc_end2:
_tile_overlayer_lowered:
.L_overlay_start_2:
0x15b: {  	(tag) =	ssettag $0x2  }
0x15c: {  	s0 =	rddreg [dreg:$0x0];
	s2 =	stileid.u32  }
0x15d: {  	s1 =	rddreg [dreg:$0x1];
	p0 =	sne.s32 s2, $0x0  }
0x15e: {  	s3 =	rddreg [dreg:$0x2];
	[bflag:$0x3] =	sbarrier.arrive $0xFFFF;
	s2 =	simm.s32 @!p0 $0x1C03  }
0x15f: {  	[timem:s3], [sflag:s2] =	dma.local @!p0 [hbm:s0], s1  }
0x160: {  	s0 =	simm.s32 @!p0 $0x3  }
0x161: {  	_ =	swait.ge @!p0 [sflag:s0], s1  }
0x162: {  	s1 =	ssub.s32 @!p0 $0x0, s1;
	[sflag:s0] =	ssyncset.done @!p0 $0x0  }
0x163: {  	[sflag:s0] =	ssyncadd.s32 @!p0 s1  }
0x164: {  	[bflag:$0x3] =	sbarrier.arrive $0xFFFF  }
0x165: {  	_ =	shalt  }

</sc_bundles>
